<compile_context>
chip_gen: v7x
topology: tpu7x:2x2x1
jax: 0.10.2.dev20260603
libtpu: 0.0.44.dev20260713+nightly
codegen_flags: <defaults>
</compile_context>

<pallas_src>
import jax
import jax.numpy as jnp
from jax import lax
from jax.experimental import pallas as pl
from jax.experimental.pallas import tpu as pltpu, tpu_sc as plsc

N = 500000
DIM = 128
EPAD = 128
CH = 384
LANES = 16
NW = 32

NUM_FULL = N // CH
T_COMMON = NUM_FULL // NW
N_EXTRA = NUM_FULL - T_COMMON * NW
TAIL = N - NUM_FULL * CH
TAIL_BASE = NUM_FULL * CH


def _search16(edges_v, v):
    pos = jnp.zeros((LANES,), jnp.int32)
    step = EPAD // 2
    while step >= 1:
        probe = pos + (step - 1)
        ev = plsc.load_gather(edges_v, [probe])
        pos = jnp.where(ev < v, pos + step, pos)
        step //= 2
    return pos


def _body(time_hbm, edges_hbm, table_hbm, out_hbm,
          edges_v, table_v, tv0, tv1, idx0, idx1, rows0, rows1,
          tvt, idxt, rowst,
          tvs0, tvs1, gs0, gs1, ws0, ws1, tsem):
    nc = lax.axis_index("c")
    ns = lax.axis_index("s")
    wid = ns * 2 + nc

    tv = (tv0, tv1)
    idx = (idx0, idx1)
    rows = (rows0, rows1)
    tvs = (tvs0, tvs1)
    gs = (gs0, gs1)
    ws = (ws0, ws1)

    pltpu.sync_copy(edges_hbm, edges_v)
    pltpu.sync_copy(table_hbm, table_v)

    def tv_slice(t):
        return time_hbm.at[pl.ds((wid + t * NW) * CH, CH)]

    def out_slice(t):
        return out_hbm.at[pl.ds((wid + t * NW) * CH, CH)]

    def start_tv(t, b):
        pltpu.async_copy(tv_slice(t), tv[b], tvs[b])

    def wait_tv(t, b):
        pltpu.make_async_copy(tv_slice(t), tv[b], tvs[b]).wait()

    def compute_idx(b):
        tvb, idxb = tv[b], idx[b]
        for j in range(CH // 128):
            row = idxb.at[j]

            def kb(k, c, j=j, row=row, tvb=tvb):
                v = tvb[pl.ds(j * 128 + k * LANES, LANES)]
                row[pl.ds(k * LANES, LANES)] = _search16(edges_v, v)
                return c

            lax.fori_loop(0, 128 // LANES, kb, 0)

    def start_gathers(b):
        for j in range(CH // 128):
            pltpu.async_copy(table_v.at[idx[b].at[j]],
                             rows[b].at[pl.ds(j * 128, 128)], gs[b])

    def wait_gathers(b):
        for j in range(CH // 128):
            pltpu.make_async_copy(table_v.at[idx[b].at[j]],
                                  rows[b].at[pl.ds(j * 128, 128)], gs[b]).wait()

    def start_write(t, b):
        pltpu.async_copy(rows[b], out_slice(t), ws[b])

    def wait_write(t, b):
        pltpu.make_async_copy(rows[b], out_slice(t), ws[b]).wait()

    start_tv(0, 0)
    start_tv(1, 1)

    def pair(i, carry):
        for tt in range(2):
            b = tt
            o = 1 - tt
            t = 2 * i + tt

            def write_prev():
                wait_gathers(o)
                start_write(t - 1, o)
            if tt == 0:
                pl.when(i >= 1)(write_prev)
            else:
                write_prev()

            wait_tv(t, b)
            compute_idx(b)

            pl.when(i >= 1)(lambda: wait_write(t - 2, b))

            start_gathers(b)

            if tt == 0:
                pl.when(jnp.logical_or(i < T_COMMON // 2 - 1, wid < N_EXTRA))(
                    lambda: start_tv(t + 2, b))
            else:
                pl.when(i < T_COMMON // 2 - 1)(lambda: start_tv(t + 2, b))
        return carry

    lax.fori_loop(0, T_COMMON // 2, pair, 0)

    t = T_COMMON - 1
    wait_gathers(1)
    start_write(t, 1)
    wait_write(t - 1, 0)
    wait_write(t, 1)

    @pl.when(wid < N_EXTRA)
    def _extra():
        te = T_COMMON
        wait_tv(te, 0)
        compute_idx(0)
        start_gathers(0)
        wait_gathers(0)
        start_write(te, 0)
        wait_write(te, 0)

    @pl.when(wid == NW - 1)
    def _tail():
        pltpu.sync_copy(time_hbm.at[pl.ds(TAIL_BASE, TAIL)], tvt)
        for k in range(TAIL // LANES):
            v = tvt[pl.ds(k * LANES, LANES)]
            idxt[pl.ds(k * LANES, LANES)] = _search16(edges_v, v)
        pltpu.async_copy(table_v.at[idxt], rowst, tsem).wait()
        pltpu.sync_copy(rowst, out_hbm.at[pl.ds(TAIL_BASE, TAIL)])


@jax.jit
def _run(time_value, edges_pad, table):
    mesh = plsc.VectorSubcoreMesh(core_axis_name="c", subcore_axis_name="s")
    return pl.kernel(
        _body,
        out_type=jax.ShapeDtypeStruct((N, DIM), jnp.float32),
        mesh=mesh,
        compiler_params=pltpu.CompilerParams(needs_layout_passes=False),
        scratch_types=[
            pltpu.VMEM((EPAD,), jnp.float32),
            pltpu.VMEM_SHARED((101, DIM), jnp.float32),
            pltpu.VMEM((CH,), jnp.float32),
            pltpu.VMEM((CH,), jnp.float32),
            pltpu.VMEM((CH // 128, 128), jnp.int32),
            pltpu.VMEM((CH // 128, 128), jnp.int32),
            pltpu.VMEM((CH, DIM), jnp.float32),
            pltpu.VMEM((CH, DIM), jnp.float32),
            pltpu.VMEM((TAIL,), jnp.float32),
            pltpu.VMEM((TAIL,), jnp.int32),
            pltpu.VMEM((TAIL, DIM), jnp.float32),
            pltpu.SemaphoreType.DMA,
            pltpu.SemaphoreType.DMA,
            pltpu.SemaphoreType.DMA,
            pltpu.SemaphoreType.DMA,
            pltpu.SemaphoreType.DMA,
            pltpu.SemaphoreType.DMA,
            pltpu.SemaphoreType.DMA,
        ],
    )(time_value, edges_pad, table)


def kernel(time_value, absolute_bin_edges, ab_duration_embed):
    edges_pad = jnp.concatenate(
        [absolute_bin_edges.astype(jnp.float32),
         jnp.full((EPAD - absolute_bin_edges.shape[0],), jnp.inf, jnp.float32)]
    )
    return _run(time_value, edges_pad, ab_duration_embed)

# --- scband reference (transcript-rebuilt; emitter-appended) ---
"""Pipeline reference for scband-duration-encoding-2207613190389 (READ-ONLY COPY).

The authoritative reference and input builder live on the scoring server;
editing this copy changes nothing except your own understanding.
"""

import jax, jax.numpy as jnp
import numpy as np

N = 500000
DIM = 128
NUM_AB_BINS = 100  # torch.arange(0, 1, 0.01) -> 100 quantile edges
AB_VOCAB = 101     # nn.Embedding(101, dim)


def setup_inputs(seed: int = 0) -> dict:
    key = jax.random.key(seed)
    k1, k2, k3 = jax.random.split(key, 3)
    # segment durations in seconds, roughly [0, 30)
    time_value = jax.random.uniform(k1, (N,), dtype=jnp.float32, minval=0.0, maxval=30.0)
    # synthetic population of segment durations from which quantile bin edges are built
    population = jax.random.uniform(k2, (100000,), dtype=jnp.float32, minval=0.0, maxval=30.0)
    qs = jnp.arange(0.0, 1.0, 0.01, dtype=jnp.float32)  # 100 quantiles, like torch.arange(0,1,0.01)
    absolute_bin_edges = jnp.quantile(population, qs)  # sorted, shape (100,)
    ab_duration_embed = jax.random.normal(k3, (AB_VOCAB, DIM), dtype=jnp.float32) * 0.02
    return {
        "time_value": time_value,
        "absolute_bin_edges": absolute_bin_edges,
        "ab_duration_embed": ab_duration_embed,
    }


def reference(time_value, absolute_bin_edges, ab_duration_embed):
    # attribute == 'natural_ab' branch; the per-element python loop in the original
    # forward is equivalent to a vectorized searchsorted + embedding gather.
    bucket_indices = jnp.searchsorted(absolute_bin_edges, time_value)  # int32 in [0, 100]
    dura_embedding = jnp.take(ab_duration_embed, bucket_indices, axis=0)  # [N, DIM]
    return dura_embedding

if __name__ == "__main__":
    import jax
    _d = setup_inputs()
    print(jax.jit(kernel)(*tuple(_d.values())))

</pallas_src>

<mosaic_0001>
#map = affine_map<(d0, d1) -> (0)>
#map1 = affine_map<(d0, d1) -> (0, 0)>
module attributes {stable_mosaic.version = 14 : i64} {
  func.func @_body(%arg0: i32, %arg1: i32, %arg2: memref<500000xf32, #tpu.memory_space<hbm>>, %arg3: memref<128xf32, #tpu.memory_space<hbm>>, %arg4: memref<101x128xf32, #tpu.memory_space<hbm>>, %arg5: memref<500000x128xf32, #tpu.memory_space<hbm>>, %arg6: memref<128xf32, #tpu.memory_space<vmem>>, %arg7: memref<101x128xf32, #tpu.memory_space<vmem_shared>>, %arg8: memref<384xf32, #tpu.memory_space<vmem>>, %arg9: memref<384xf32, #tpu.memory_space<vmem>>, %arg10: memref<3x128xi32, #tpu.memory_space<vmem>>, %arg11: memref<3x128xi32, #tpu.memory_space<vmem>>, %arg12: memref<384x128xf32, #tpu.memory_space<vmem>>, %arg13: memref<384x128xf32, #tpu.memory_space<vmem>>, %arg14: memref<32xf32, #tpu.memory_space<vmem>>, %arg15: memref<32xi32, #tpu.memory_space<vmem>>, %arg16: memref<32x128xf32, #tpu.memory_space<vmem>>, %arg17: memref<!tpu.dma_semaphore, #tpu.memory_space<semaphore_mem>>, %arg18: memref<!tpu.dma_semaphore, #tpu.memory_space<semaphore_mem>>, %arg19: memref<!tpu.dma_semaphore, #tpu.memory_space<semaphore_mem>>, %arg20: memref<!tpu.dma_semaphore, #tpu.memory_space<semaphore_mem>>, %arg21: memref<!tpu.dma_semaphore, #tpu.memory_space<semaphore_mem>>, %arg22: memref<!tpu.dma_semaphore, #tpu.memory_space<semaphore_mem>>, %arg23: memref<!tpu.dma_semaphore, #tpu.memory_space<semaphore_mem>>) attributes {dimension_semantics = [#tpu.dimension_semantics<core_parallel>, #tpu.dimension_semantics<subcore_parallel>], iteration_bounds = array<i64: 2, 16>, scalar_prefetch = 0 : i64, scratch_operands = 18 : i64, tpu.core_type = #tpu.core_type<sc_vector_subcore>, window_params = [{transform_indices = #map}, {transform_indices = #map}, {transform_indices = #map1}, {transform_indices = #map1}]} {
    %mul3A = arith.constant 2 : i32
    %mul3A_0 = arith.muli %arg1, %mul3A : i32
    %add3A = arith.addi %mul3A_0, %arg0 : i32
    "tpu.region"() ({
      %run_scoped3A = tpu.sem_alloc : memref<!tpu.dma_semaphore, #tpu.memory_space<semaphore_mem>>
      tpu.enqueue_dma source(%arg3 : memref<128xf32, #tpu.memory_space<hbm>>) target(%arg6 : memref<128xf32, #tpu.memory_space<vmem>>) target_semaphore(%run_scoped3A : memref<!tpu.dma_semaphore, #tpu.memory_space<semaphore_mem>>)
      tpu.wait_dma2 semaphore(%run_scoped3A : memref<!tpu.dma_semaphore, #tpu.memory_space<semaphore_mem>>) src(%arg3 : memref<128xf32, #tpu.memory_space<hbm>>) dst(%arg6 : memref<128xf32, #tpu.memory_space<vmem>>)
      tpu.yield
    }) : () -> ()
    "tpu.region"() ({
      %run_scoped3A = tpu.sem_alloc : memref<!tpu.dma_semaphore, #tpu.memory_space<semaphore_mem>>
      tpu.enqueue_dma source(%arg4 : memref<101x128xf32, #tpu.memory_space<hbm>>) target(%arg7 : memref<101x128xf32, #tpu.memory_space<vmem_shared>>) target_semaphore(%run_scoped3A : memref<!tpu.dma_semaphore, #tpu.memory_space<semaphore_mem>>)
      tpu.wait_dma2 semaphore(%run_scoped3A : memref<!tpu.dma_semaphore, #tpu.memory_space<semaphore_mem>>) src(%arg4 : memref<101x128xf32, #tpu.memory_space<hbm>>) dst(%arg7 : memref<101x128xf32, #tpu.memory_space<vmem_shared>>)
      tpu.yield
    }) : () -> ()
    %add3A_1 = arith.constant 0 : i32
    %add3A_2 = arith.addi %add3A, %add3A_1 : i32
    %mul3A_3 = arith.constant 384 : i32
    %mul3A_4 = arith.muli %add3A_2, %mul3A_3 : i32
    %dma_start3A = tpu.memref_slice %arg2[%mul3A_4] : memref<500000xf32, #tpu.memory_space<hbm>> -> memref<384xf32, #tpu.memory_space<hbm>>
    %dma_start3A_5 = tpu.memref_slice %arg2[%mul3A_4] : memref<500000xf32, #tpu.memory_space<hbm>> -> memref<384xf32, #tpu.memory_space<hbm>>
    tpu.enqueue_dma source(%dma_start3A_5 : memref<384xf32, #tpu.memory_space<hbm>>) target(%arg8 : memref<384xf32, #tpu.memory_space<vmem>>) target_semaphore(%arg17 : memref<!tpu.dma_semaphore, #tpu.memory_space<semaphore_mem>>)
    %add3A_6 = arith.constant 32 : i32
    %add3A_7 = arith.addi %add3A, %add3A_6 : i32
    %mul3A_8 = arith.constant 384 : i32
    %mul3A_9 = arith.muli %add3A_7, %mul3A_8 : i32
    %dma_start3A_10 = tpu.memref_slice %arg2[%mul3A_9] : memref<500000xf32, #tpu.memory_space<hbm>> -> memref<384xf32, #tpu.memory_space<hbm>>
    %dma_start3A_11 = tpu.memref_slice %arg2[%mul3A_9] : memref<500000xf32, #tpu.memory_space<hbm>> -> memref<384xf32, #tpu.memory_space<hbm>>
    tpu.enqueue_dma source(%dma_start3A_11 : memref<384xf32, #tpu.memory_space<hbm>>) target(%arg9 : memref<384xf32, #tpu.memory_space<vmem>>) target_semaphore(%arg18 : memref<!tpu.dma_semaphore, #tpu.memory_space<semaphore_mem>>)
    %scan3A = arith.constant 0 : i32
    %scan3A_12 = arith.constant 0 : i32
    %scan3A_13 = arith.constant 20 : i32
    %scan3A_14 = arith.addi %scan3A_12, %scan3A_13 : i32
    %scan3A_15 = arith.constant 1 : i32
    scf.for %scan3A_76 = %scan3A_12 to %scan3A_14 step %scan3A_15  : i32 {
      %mul3A_77 = arith.constant 2 : i32
      %mul3A_78 = arith.muli %mul3A_77, %scan3A_76 : i32
      %add3A_79 = arith.constant 0 : i32
      %add3A_80 = arith.addi %mul3A_78, %add3A_79 : i32
      %ge3A = arith.constant 1 : i32
      %ge3A_81 = arith.cmpi sge, %scan3A_76, %ge3A : i32
      %convert_element_type3A_82 = arith.extui %ge3A_81 : i1 to i32
      %cond3A_83 = arith.constant 0 : i32
      %cond3A_84 = arith.cmpi ne, %convert_element_type3A_82, %cond3A_83 : i32
      scf.if %cond3A_84 {
        %dma_wait3A_267 = arith.constant 0 : i32
        %dma_wait3A_268 = arith.constant 0 : i32
        %dma_wait3A_269 = arith.constant 0 : i32
        %dma_wait3A_270 = tpu.memref_slice %arg13[%dma_wait3A_268, %dma_wait3A_269] : memref<384x128xf32, #tpu.memory_space<vmem>> -> memref<128x128xf32, #tpu.memory_space<vmem>>
        %dma_wait3A_271 = arith.constant 0 : i32
        %dma_wait3A_272 = tpu.memref_slice %arg11[%dma_wait3A_267, %dma_wait3A_271] : memref<3x128xi32, #tpu.memory_space<vmem>> -> memref<1x128xi32, #tpu.memory_space<vmem>>
        %dma_wait3A_273 = tpu.memref_squeeze %dma_wait3A_272 : memref<1x128xi32, #tpu.memory_space<vmem>> -> memref<128xi32, #tpu.memory_space<vmem>>
        %dma_wait3A_274 = arith.constant 0 : i32
        %dma_wait3A_275 = arith.constant 0 : i32
        %dma_wait3A_276 = tpu.memref_slice %arg7[%dma_wait3A_274, %dma_wait3A_275] : memref<101x128xf32, #tpu.memory_space<vmem_shared>> -> memref<101x128xf32, #tpu.memory_space<vmem_shared>>
        tpu.wait_indirect_dma semaphore(%arg20 : memref<!tpu.dma_semaphore, #tpu.memory_space<semaphore_mem>>) src(%dma_wait3A_276 : memref<101x128xf32, #tpu.memory_space<vmem_shared>>) dst(%dma_wait3A_270 : memref<128x128xf32, #tpu.memory_space<vmem>>)
        %dma_wait3A_277 = arith.constant 1 : i32
        %dma_wait3A_278 = arith.constant 128 : i32
        %dma_wait3A_279 = arith.constant 0 : i32
        %dma_wait3A_280 = tpu.memref_slice %arg13[%dma_wait3A_278, %dma_wait3A_279] : memref<384x128xf32, #tpu.memory_space<vmem>> -> memref<128x128xf32, #tpu.memory_space<vmem>>
        %dma_wait3A_281 = arith.constant 0 : i32
        %dma_wait3A_282 = tpu.memref_slice %arg11[%dma_wait3A_277, %dma_wait3A_281] : memref<3x128xi32, #tpu.memory_space<vmem>> -> memref<1x128xi32, #tpu.memory_space<vmem>>
        %dma_wait3A_283 = tpu.memref_squeeze %dma_wait3A_282 : memref<1x128xi32, #tpu.memory_space<vmem>> -> memref<128xi32, #tpu.memory_space<vmem>>
        %dma_wait3A_284 = arith.constant 0 : i32
        %dma_wait3A_285 = arith.constant 0 : i32
        %dma_wait3A_286 = tpu.memref_slice %arg7[%dma_wait3A_284, %dma_wait3A_285] : memref<101x128xf32, #tpu.memory_space<vmem_shared>> -> memref<101x128xf32, #tpu.memory_space<vmem_shared>>
        tpu.wait_indirect_dma semaphore(%arg20 : memref<!tpu.dma_semaphore, #tpu.memory_space<semaphore_mem>>) src(%dma_wait3A_286 : memref<101x128xf32, #tpu.memory_space<vmem_shared>>) dst(%dma_wait3A_280 : memref<128x128xf32, #tpu.memory_space<vmem>>)
        %dma_wait3A_287 = arith.constant 2 : i32
        %dma_wait3A_288 = arith.constant 256 : i32
        %dma_wait3A_289 = arith.constant 0 : i32
        %dma_wait3A_290 = tpu.memref_slice %arg13[%dma_wait3A_288, %dma_wait3A_289] : memref<384x128xf32, #tpu.memory_space<vmem>> -> memref<128x128xf32, #tpu.memory_space<vmem>>
        %dma_wait3A_291 = arith.constant 0 : i32
        %dma_wait3A_292 = tpu.memref_slice %arg11[%dma_wait3A_287, %dma_wait3A_291] : memref<3x128xi32, #tpu.memory_space<vmem>> -> memref<1x128xi32, #tpu.memory_space<vmem>>
        %dma_wait3A_293 = tpu.memref_squeeze %dma_wait3A_292 : memref<1x128xi32, #tpu.memory_space<vmem>> -> memref<128xi32, #tpu.memory_space<vmem>>
        %dma_wait3A_294 = arith.constant 0 : i32
        %dma_wait3A_295 = arith.constant 0 : i32
        %dma_wait3A_296 = tpu.memref_slice %arg7[%dma_wait3A_294, %dma_wait3A_295] : memref<101x128xf32, #tpu.memory_space<vmem_shared>> -> memref<101x128xf32, #tpu.memory_space<vmem_shared>>
        tpu.wait_indirect_dma semaphore(%arg20 : memref<!tpu.dma_semaphore, #tpu.memory_space<semaphore_mem>>) src(%dma_wait3A_296 : memref<101x128xf32, #tpu.memory_space<vmem_shared>>) dst(%dma_wait3A_290 : memref<128x128xf32, #tpu.memory_space<vmem>>)
        %sub3A_297 = arith.constant 1 : i32
        %sub3A_298 = arith.subi %add3A_80, %sub3A_297 : i32
        %mul3A_299 = arith.constant 32 : i32
        %mul3A_300 = arith.muli %sub3A_298, %mul3A_299 : i32
        %add3A_301 = arith.addi %add3A, %mul3A_300 : i32
        %mul3A_302 = arith.constant 384 : i32
        %mul3A_303 = arith.muli %add3A_301, %mul3A_302 : i32
        %dma_start3A_304 = arith.constant 0 : i32
        %dma_start3A_305 = tpu.memref_slice %arg5[%mul3A_303, %dma_start3A_304] : memref<500000x128xf32, #tpu.memory_space<hbm>> -> memref<384x128xf32, #tpu.memory_space<hbm>>
        %dma_start3A_306 = arith.constant 0 : i32
        %dma_start3A_307 = tpu.memref_slice %arg5[%mul3A_303, %dma_start3A_306] : memref<500000x128xf32, #tpu.memory_space<hbm>> -> memref<384x128xf32, #tpu.memory_space<hbm>>
        tpu.enqueue_dma source(%arg13 : memref<384x128xf32, #tpu.memory_space<vmem>>) target(%dma_start3A_307 : memref<384x128xf32, #tpu.memory_space<hbm>>) target_semaphore(%arg22 : memref<!tpu.dma_semaphore, #tpu.memory_space<semaphore_mem>>)
      } else {
      }
      %mul3A_85 = arith.constant 32 : i32
      %mul3A_86 = arith.muli %add3A_80, %mul3A_85 : i32
      %add3A_87 = arith.addi %add3A, %mul3A_86 : i32
      %mul3A_88 = arith.constant 384 : i32
      %mul3A_89 = arith.muli %add3A_87, %mul3A_88 : i32
      %dma_wait3A_90 = tpu.memref_slice %arg2[%mul3A_89] : memref<500000xf32, #tpu.memory_space<hbm>> -> memref<384xf32, #tpu.memory_space<hbm>>
      %dma_wait3A_91 = tpu.memref_slice %arg2[%mul3A_89] : memref<500000xf32, #tpu.memory_space<hbm>> -> memref<384xf32, #tpu.memory_space<hbm>>
      tpu.wait_dma2 semaphore(%arg17 : memref<!tpu.dma_semaphore, #tpu.memory_space<semaphore_mem>>) src(%dma_wait3A_91 : memref<384xf32, #tpu.memory_space<hbm>>) dst(%arg8 : memref<384xf32, #tpu.memory_space<vmem>>)
      %scan3A_92 = arith.constant 0 : i32
      %scan3A_93 = arith.constant 0 : i32
      %scan3A_94 = arith.constant 0 : i32
      %scan3A_95 = arith.constant 8 : i32
      %scan3A_96 = arith.addi %scan3A_94, %scan3A_95 : i32
      %scan3A_97 = arith.constant 1 : i32
      scf.for %scan3A_267 = %scan3A_94 to %scan3A_96 step %scan3A_97  : i32 {
        %mul3A_268 = arith.constant 16 : i32
        %mul3A_269 = arith.muli %scan3A_267, %mul3A_268 : i32
        %add3A_270 = arith.constant 0 : i32
        %add3A_271 = arith.addi %add3A_270, %mul3A_269 : i32
        %get3A = arith.index_cast %add3A_271 : i32 to index
        %get3A_272 = tpu.vector_load %arg8[%get3A] {strides = array<i32>} : memref<384xf32, #tpu.memory_space<vmem>>, vector<16xf32>,
        %broadcast_in_dim3A = arith.constant 0 : i32
        %broadcast_in_dim3A_273 = vector.broadcast %broadcast_in_dim3A : i32 to vector<16xi32>
        %add3A_274 = arith.constant 63 : i32
        %add3A_275 = vector.broadcast %add3A_274 : i32 to vector<16xi32>
        %add3A_276 = arith.addi %broadcast_in_dim3A_273, %add3A_275 : vector<16xi32>
        %gather3A = tpu.vector_load_idx %arg6[%add3A_276] : memref<128xf32, #tpu.memory_space<vmem>>[vector<16xi32>], vector<16xf32>,
        %lt3A_277 = arith.cmpf olt, %gather3A, %get3A_272 : vector<16xf32>
        %add3A_278 = arith.constant 64 : i32
        %add3A_279 = vector.broadcast %add3A_278 : i32 to vector<16xi32>
        %add3A_280 = arith.addi %broadcast_in_dim3A_273, %add3A_279 : vector<16xi32>
        %select_n3A = arith.select %lt3A_277, %add3A_280, %broadcast_in_dim3A_273 : vector<16xi1>, vector<16xi32>
        %add3A_281 = arith.constant 31 : i32
        %add3A_282 = vector.broadcast %add3A_281 : i32 to vector<16xi32>
        %add3A_283 = arith.addi %select_n3A, %add3A_282 : vector<16xi32>
        %gather3A_284 = tpu.vector_load_idx %arg6[%add3A_283] : memref<128xf32, #tpu.memory_space<vmem>>[vector<16xi32>], vector<16xf32>,
        %lt3A_285 = arith.cmpf olt, %gather3A_284, %get3A_272 : vector<16xf32>
        %add3A_286 = arith.constant 32 : i32
        %add3A_287 = vector.broadcast %add3A_286 : i32 to vector<16xi32>
        %add3A_288 = arith.addi %select_n3A, %add3A_287 : vector<16xi32>
        %select_n3A_289 = arith.select %lt3A_285, %add3A_288, %select_n3A : vector<16xi1>, vector<16xi32>
        %add3A_290 = arith.constant 15 : i32
        %add3A_291 = vector.broadcast %add3A_290 : i32 to vector<16xi32>
        %add3A_292 = arith.addi %select_n3A_289, %add3A_291 : vector<16xi32>
        %gather3A_293 = tpu.vector_load_idx %arg6[%add3A_292] : memref<128xf32, #tpu.memory_space<vmem>>[vector<16xi32>], vector<16xf32>,
        %lt3A_294 = arith.cmpf olt, %gather3A_293, %get3A_272 : vector<16xf32>
        %add3A_295 = arith.constant 16 : i32
        %add3A_296 = vector.broadcast %add3A_295 : i32 to vector<16xi32>
        %add3A_297 = arith.addi %select_n3A_289, %add3A_296 : vector<16xi32>
        %select_n3A_298 = arith.select %lt3A_294, %add3A_297, %select_n3A_289 : vector<16xi1>, vector<16xi32>
        %add3A_299 = arith.constant 7 : i32
        %add3A_300 = vector.broadcast %add3A_299 : i32 to vector<16xi32>
        %add3A_301 = arith.addi %select_n3A_298, %add3A_300 : vector<16xi32>
        %gather3A_302 = tpu.vector_load_idx %arg6[%add3A_301] : memref<128xf32, #tpu.memory_space<vmem>>[vector<16xi32>], vector<16xf32>,
        %lt3A_303 = arith.cmpf olt, %gather3A_302, %get3A_272 : vector<16xf32>
        %add3A_304 = arith.constant 8 : i32
        %add3A_305 = vector.broadcast %add3A_304 : i32 to vector<16xi32>
        %add3A_306 = arith.addi %select_n3A_298, %add3A_305 : vector<16xi32>
        %select_n3A_307 = arith.select %lt3A_303, %add3A_306, %select_n3A_298 : vector<16xi1>, vector<16xi32>
        %add3A_308 = arith.constant 3 : i32
        %add3A_309 = vector.broadcast %add3A_308 : i32 to vector<16xi32>
        %add3A_310 = arith.addi %select_n3A_307, %add3A_309 : vector<16xi32>
        %gather3A_311 = tpu.vector_load_idx %arg6[%add3A_310] : memref<128xf32, #tpu.memory_space<vmem>>[vector<16xi32>], vector<16xf32>,
        %lt3A_312 = arith.cmpf olt, %gather3A_311, %get3A_272 : vector<16xf32>
        %add3A_313 = arith.constant 4 : i32
        %add3A_314 = vector.broadcast %add3A_313 : i32 to vector<16xi32>
        %add3A_315 = arith.addi %select_n3A_307, %add3A_314 : vector<16xi32>
        %select_n3A_316 = arith.select %lt3A_312, %add3A_315, %select_n3A_307 : vector<16xi1>, vector<16xi32>
        %add3A_317 = arith.constant 1 : i32
        %add3A_318 = vector.broadcast %add3A_317 : i32 to vector<16xi32>
        %add3A_319 = arith.addi %select_n3A_316, %add3A_318 : vector<16xi32>
        %gather3A_320 = tpu.vector_load_idx %arg6[%add3A_319] : memref<128xf32, #tpu.memory_space<vmem>>[vector<16xi32>], vector<16xf32>,
        %lt3A_321 = arith.cmpf olt, %gather3A_320, %get3A_272 : vector<16xf32>
        %add3A_322 = arith.constant 2 : i32
        %add3A_323 = vector.broadcast %add3A_322 : i32 to vector<16xi32>
        %add3A_324 = arith.addi %select_n3A_316, %add3A_323 : vector<16xi32>
        %select_n3A_325 = arith.select %lt3A_321, %add3A_324, %select_n3A_316 : vector<16xi1>, vector<16xi32>
        %add3A_326 = arith.constant 0 : i32
        %add3A_327 = vector.broadcast %add3A_326 : i32 to vector<16xi32>
        %add3A_328 = arith.addi %select_n3A_325, %add3A_327 : vector<16xi32>
        %gather3A_329 = tpu.vector_load_idx %arg6[%add3A_328] : memref<128xf32, #tpu.memory_space<vmem>>[vector<16xi32>], vector<16xf32>,
        %lt3A_330 = arith.cmpf olt, %gather3A_329, %get3A_272 : vector<16xf32>
        %add3A_331 = arith.constant 1 : i32
        %add3A_332 = vector.broadcast %add3A_331 : i32 to vector<16xi32>
        %add3A_333 = arith.addi %select_n3A_325, %add3A_332 : vector<16xi32>
        %select_n3A_334 = arith.select %lt3A_330, %add3A_333, %select_n3A_325 : vector<16xi1>, vector<16xi32>
        %mul3A_335 = arith.constant 16 : i32
        %mul3A_336 = arith.muli %scan3A_267, %mul3A_335 : i32
        %swap3A = arith.constant 0 : i32
        %swap3A_337 = tpu.memref_slice %arg10[%scan3A_93, %swap3A] : memref<3x128xi32, #tpu.memory_space<vmem>> -> memref<1x128xi32, #tpu.memory_space<vmem>>
        %swap3A_338 = tpu.memref_squeeze %swap3A_337 : memref<1x128xi32, #tpu.memory_space<vmem>> -> memref<128xi32, #tpu.memory_space<vmem>>
        %swap3A_339 = arith.index_cast %mul3A_336 : i32 to index
        %swap3A_340 = tpu.vector_load %swap3A_338[%swap3A_339] {strides = array<i32>} : memref<128xi32, #tpu.memory_space<vmem>>, vector<16xi32>,
        tpu.vector_store %swap3A_338[%swap3A_339], %select_n3A_334 {strides = array<i32>} : memref<128xi32, #tpu.memory_space<vmem>>, vector<16xi32>,
      }
      %scan3A_98 = arith.constant 8 : i32
      %scan3A_99 = arith.constant 0 : i32
      %scan3A_100 = arith.constant 1 : i32
      %scan3A_101 = arith.constant 0 : i32
      %scan3A_102 = arith.constant 8 : i32
      %scan3A_103 = arith.addi %scan3A_101, %scan3A_102 : i32
      %scan3A_104 = arith.constant 1 : i32
      scf.for %scan3A_267 = %scan3A_101 to %scan3A_103 step %scan3A_104  : i32 {
        %mul3A_268 = arith.constant 16 : i32
        %mul3A_269 = arith.muli %scan3A_267, %mul3A_268 : i32
        %add3A_270 = arith.constant 128 : i32
        %add3A_271 = arith.addi %add3A_270, %mul3A_269 : i32
        %get3A = arith.index_cast %add3A_271 : i32 to index
        %get3A_272 = tpu.vector_load %arg8[%get3A] {strides = array<i32>} : memref<384xf32, #tpu.memory_space<vmem>>, vector<16xf32>,
        %broadcast_in_dim3A = arith.constant 0 : i32
        %broadcast_in_dim3A_273 = vector.broadcast %broadcast_in_dim3A : i32 to vector<16xi32>
        %add3A_274 = arith.constant 63 : i32
        %add3A_275 = vector.broadcast %add3A_274 : i32 to vector<16xi32>
        %add3A_276 = arith.addi %broadcast_in_dim3A_273, %add3A_275 : vector<16xi32>
        %gather3A = tpu.vector_load_idx %arg6[%add3A_276] : memref<128xf32, #tpu.memory_space<vmem>>[vector<16xi32>], vector<16xf32>,
        %lt3A_277 = arith.cmpf olt, %gather3A, %get3A_272 : vector<16xf32>
        %add3A_278 = arith.constant 64 : i32
        %add3A_279 = vector.broadcast %add3A_278 : i32 to vector<16xi32>
        %add3A_280 = arith.addi %broadcast_in_dim3A_273, %add3A_279 : vector<16xi32>
        %select_n3A = arith.select %lt3A_277, %add3A_280, %broadcast_in_dim3A_273 : vector<16xi1>, vector<16xi32>
        %add3A_281 = arith.constant 31 : i32
        %add3A_282 = vector.broadcast %add3A_281 : i32 to vector<16xi32>
        %add3A_283 = arith.addi %select_n3A, %add3A_282 : vector<16xi32>
        %gather3A_284 = tpu.vector_load_idx %arg6[%add3A_283] : memref<128xf32, #tpu.memory_space<vmem>>[vector<16xi32>], vector<16xf32>,
        %lt3A_285 = arith.cmpf olt, %gather3A_284, %get3A_272 : vector<16xf32>
        %add3A_286 = arith.constant 32 : i32
        %add3A_287 = vector.broadcast %add3A_286 : i32 to vector<16xi32>
        %add3A_288 = arith.addi %select_n3A, %add3A_287 : vector<16xi32>
        %select_n3A_289 = arith.select %lt3A_285, %add3A_288, %select_n3A : vector<16xi1>, vector<16xi32>
        %add3A_290 = arith.constant 15 : i32
        %add3A_291 = vector.broadcast %add3A_290 : i32 to vector<16xi32>
        %add3A_292 = arith.addi %select_n3A_289, %add3A_291 : vector<16xi32>
        %gather3A_293 = tpu.vector_load_idx %arg6[%add3A_292] : memref<128xf32, #tpu.memory_space<vmem>>[vector<16xi32>], vector<16xf32>,
        %lt3A_294 = arith.cmpf olt, %gather3A_293, %get3A_272 : vector<16xf32>
        %add3A_295 = arith.constant 16 : i32
        %add3A_296 = vector.broadcast %add3A_295 : i32 to vector<16xi32>
        %add3A_297 = arith.addi %select_n3A_289, %add3A_296 : vector<16xi32>
        %select_n3A_298 = arith.select %lt3A_294, %add3A_297, %select_n3A_289 : vector<16xi1>, vector<16xi32>
        %add3A_299 = arith.constant 7 : i32
        %add3A_300 = vector.broadcast %add3A_299 : i32 to vector<16xi32>
        %add3A_301 = arith.addi %select_n3A_298, %add3A_300 : vector<16xi32>
        %gather3A_302 = tpu.vector_load_idx %arg6[%add3A_301] : memref<128xf32, #tpu.memory_space<vmem>>[vector<16xi32>], vector<16xf32>,
        %lt3A_303 = arith.cmpf olt, %gather3A_302, %get3A_272 : vector<16xf32>
        %add3A_304 = arith.constant 8 : i32
        %add3A_305 = vector.broadcast %add3A_304 : i32 to vector<16xi32>
        %add3A_306 = arith.addi %select_n3A_298, %add3A_305 : vector<16xi32>
        %select_n3A_307 = arith.select %lt3A_303, %add3A_306, %select_n3A_298 : vector<16xi1>, vector<16xi32>
        %add3A_308 = arith.constant 3 : i32
        %add3A_309 = vector.broadcast %add3A_308 : i32 to vector<16xi32>
        %add3A_310 = arith.addi %select_n3A_307, %add3A_309 : vector<16xi32>
        %gather3A_311 = tpu.vector_load_idx %arg6[%add3A_310] : memref<128xf32, #tpu.memory_space<vmem>>[vector<16xi32>], vector<16xf32>,
        %lt3A_312 = arith.cmpf olt, %gather3A_311, %get3A_272 : vector<16xf32>
        %add3A_313 = arith.constant 4 : i32
        %add3A_314 = vector.broadcast %add3A_313 : i32 to vector<16xi32>
        %add3A_315 = arith.addi %select_n3A_307, %add3A_314 : vector<16xi32>
        %select_n3A_316 = arith.select %lt3A_312, %add3A_315, %select_n3A_307 : vector<16xi1>, vector<16xi32>
        %add3A_317 = arith.constant 1 : i32
        %add3A_318 = vector.broadcast %add3A_317 : i32 to vector<16xi32>
        %add3A_319 = arith.addi %select_n3A_316, %add3A_318 : vector<16xi32>
        %gather3A_320 = tpu.vector_load_idx %arg6[%add3A_319] : memref<128xf32, #tpu.memory_space<vmem>>[vector<16xi32>], vector<16xf32>,
        %lt3A_321 = arith.cmpf olt, %gather3A_320, %get3A_272 : vector<16xf32>
        %add3A_322 = arith.constant 2 : i32
        %add3A_323 = vector.broadcast %add3A_322 : i32 to vector<16xi32>
        %add3A_324 = arith.addi %select_n3A_316, %add3A_323 : vector<16xi32>
        %select_n3A_325 = arith.select %lt3A_321, %add3A_324, %select_n3A_316 : vector<16xi1>, vector<16xi32>
        %add3A_326 = arith.constant 0 : i32
        %add3A_327 = vector.broadcast %add3A_326 : i32 to vector<16xi32>
        %add3A_328 = arith.addi %select_n3A_325, %add3A_327 : vector<16xi32>
        %gather3A_329 = tpu.vector_load_idx %arg6[%add3A_328] : memref<128xf32, #tpu.memory_space<vmem>>[vector<16xi32>], vector<16xf32>,
        %lt3A_330 = arith.cmpf olt, %gather3A_329, %get3A_272 : vector<16xf32>
        %add3A_331 = arith.constant 1 : i32
        %add3A_332 = vector.broadcast %add3A_331 : i32 to vector<16xi32>
        %add3A_333 = arith.addi %select_n3A_325, %add3A_332 : vector<16xi32>
        %select_n3A_334 = arith.select %lt3A_330, %add3A_333, %select_n3A_325 : vector<16xi1>, vector<16xi32>
        %mul3A_335 = arith.constant 16 : i32
        %mul3A_336 = arith.muli %scan3A_267, %mul3A_335 : i32
        %swap3A = arith.constant 0 : i32
        %swap3A_337 = tpu.memref_slice %arg10[%scan3A_100, %swap3A] : memref<3x128xi32, #tpu.memory_space<vmem>> -> memref<1x128xi32, #tpu.memory_space<vmem>>
        %swap3A_338 = tpu.memref_squeeze %swap3A_337 : memref<1x128xi32, #tpu.memory_space<vmem>> -> memref<128xi32, #tpu.memory_space<vmem>>
        %swap3A_339 = arith.index_cast %mul3A_336 : i32 to index
        %swap3A_340 = tpu.vector_load %swap3A_338[%swap3A_339] {strides = array<i32>} : memref<128xi32, #tpu.memory_space<vmem>>, vector<16xi32>,
        tpu.vector_store %swap3A_338[%swap3A_339], %select_n3A_334 {strides = array<i32>} : memref<128xi32, #tpu.memory_space<vmem>>, vector<16xi32>,
      }
      %scan3A_105 = arith.constant 8 : i32
      %scan3A_106 = arith.constant 0 : i32
      %scan3A_107 = arith.constant 2 : i32
      %scan3A_108 = arith.constant 0 : i32
      %scan3A_109 = arith.constant 8 : i32
      %scan3A_110 = arith.addi %scan3A_108, %scan3A_109 : i32
      %scan3A_111 = arith.constant 1 : i32
      scf.for %scan3A_267 = %scan3A_108 to %scan3A_110 step %scan3A_111  : i32 {
        %mul3A_268 = arith.constant 16 : i32
        %mul3A_269 = arith.muli %scan3A_267, %mul3A_268 : i32
        %add3A_270 = arith.constant 256 : i32
        %add3A_271 = arith.addi %add3A_270, %mul3A_269 : i32
        %get3A = arith.index_cast %add3A_271 : i32 to index
        %get3A_272 = tpu.vector_load %arg8[%get3A] {strides = array<i32>} : memref<384xf32, #tpu.memory_space<vmem>>, vector<16xf32>,
        %broadcast_in_dim3A = arith.constant 0 : i32
        %broadcast_in_dim3A_273 = vector.broadcast %broadcast_in_dim3A : i32 to vector<16xi32>
        %add3A_274 = arith.constant 63 : i32
        %add3A_275 = vector.broadcast %add3A_274 : i32 to vector<16xi32>
        %add3A_276 = arith.addi %broadcast_in_dim3A_273, %add3A_275 : vector<16xi32>
        %gather3A = tpu.vector_load_idx %arg6[%add3A_276] : memref<128xf32, #tpu.memory_space<vmem>>[vector<16xi32>], vector<16xf32>,
        %lt3A_277 = arith.cmpf olt, %gather3A, %get3A_272 : vector<16xf32>
        %add3A_278 = arith.constant 64 : i32
        %add3A_279 = vector.broadcast %add3A_278 : i32 to vector<16xi32>
        %add3A_280 = arith.addi %broadcast_in_dim3A_273, %add3A_279 : vector<16xi32>
        %select_n3A = arith.select %lt3A_277, %add3A_280, %broadcast_in_dim3A_273 : vector<16xi1>, vector<16xi32>
        %add3A_281 = arith.constant 31 : i32
        %add3A_282 = vector.broadcast %add3A_281 : i32 to vector<16xi32>
        %add3A_283 = arith.addi %select_n3A, %add3A_282 : vector<16xi32>
        %gather3A_284 = tpu.vector_load_idx %arg6[%add3A_283] : memref<128xf32, #tpu.memory_space<vmem>>[vector<16xi32>], vector<16xf32>,
        %lt3A_285 = arith.cmpf olt, %gather3A_284, %get3A_272 : vector<16xf32>
        %add3A_286 = arith.constant 32 : i32
        %add3A_287 = vector.broadcast %add3A_286 : i32 to vector<16xi32>
        %add3A_288 = arith.addi %select_n3A, %add3A_287 : vector<16xi32>
        %select_n3A_289 = arith.select %lt3A_285, %add3A_288, %select_n3A : vector<16xi1>, vector<16xi32>
        %add3A_290 = arith.constant 15 : i32
        %add3A_291 = vector.broadcast %add3A_290 : i32 to vector<16xi32>
        %add3A_292 = arith.addi %select_n3A_289, %add3A_291 : vector<16xi32>
        %gather3A_293 = tpu.vector_load_idx %arg6[%add3A_292] : memref<128xf32, #tpu.memory_space<vmem>>[vector<16xi32>], vector<16xf32>,
        %lt3A_294 = arith.cmpf olt, %gather3A_293, %get3A_272 : vector<16xf32>
        %add3A_295 = arith.constant 16 : i32
        %add3A_296 = vector.broadcast %add3A_295 : i32 to vector<16xi32>
        %add3A_297 = arith.addi %select_n3A_289, %add3A_296 : vector<16xi32>
        %select_n3A_298 = arith.select %lt3A_294, %add3A_297, %select_n3A_289 : vector<16xi1>, vector<16xi32>
        %add3A_299 = arith.constant 7 : i32
        %add3A_300 = vector.broadcast %add3A_299 : i32 to vector<16xi32>
        %add3A_301 = arith.addi %select_n3A_298, %add3A_300 : vector<16xi32>
        %gather3A_302 = tpu.vector_load_idx %arg6[%add3A_301] : memref<128xf32, #tpu.memory_space<vmem>>[vector<16xi32>], vector<16xf32>,
        %lt3A_303 = arith.cmpf olt, %gather3A_302, %get3A_272 : vector<16xf32>
        %add3A_304 = arith.constant 8 : i32
        %add3A_305 = vector.broadcast %add3A_304 : i32 to vector<16xi32>
        %add3A_306 = arith.addi %select_n3A_298, %add3A_305 : vector<16xi32>
        %select_n3A_307 = arith.select %lt3A_303, %add3A_306, %select_n3A_298 : vector<16xi1>, vector<16xi32>
        %add3A_308 = arith.constant 3 : i32
        %add3A_309 = vector.broadcast %add3A_308 : i32 to vector<16xi32>
        %add3A_310 = arith.addi %select_n3A_307, %add3A_309 : vector<16xi32>
        %gather3A_311 = tpu.vector_load_idx %arg6[%add3A_310] : memref<128xf32, #tpu.memory_space<vmem>>[vector<16xi32>], vector<16xf32>,
        %lt3A_312 = arith.cmpf olt, %gather3A_311, %get3A_272 : vector<16xf32>
        %add3A_313 = arith.constant 4 : i32
        %add3A_314 = vector.broadcast %add3A_313 : i32 to vector<16xi32>
        %add3A_315 = arith.addi %select_n3A_307, %add3A_314 : vector<16xi32>
        %select_n3A_316 = arith.select %lt3A_312, %add3A_315, %select_n3A_307 : vector<16xi1>, vector<16xi32>
        %add3A_317 = arith.constant 1 : i32
        %add3A_318 = vector.broadcast %add3A_317 : i32 to vector<16xi32>
        %add3A_319 = arith.addi %select_n3A_316, %add3A_318 : vector<16xi32>
        %gather3A_320 = tpu.vector_load_idx %arg6[%add3A_319] : memref<128xf32, #tpu.memory_space<vmem>>[vector<16xi32>], vector<16xf32>,
        %lt3A_321 = arith.cmpf olt, %gather3A_320, %get3A_272 : vector<16xf32>
        %add3A_322 = arith.constant 2 : i32
        %add3A_323 = vector.broadcast %add3A_322 : i32 to vector<16xi32>
        %add3A_324 = arith.addi %select_n3A_316, %add3A_323 : vector<16xi32>
        %select_n3A_325 = arith.select %lt3A_321, %add3A_324, %select_n3A_316 : vector<16xi1>, vector<16xi32>
        %add3A_326 = arith.constant 0 : i32
        %add3A_327 = vector.broadcast %add3A_326 : i32 to vector<16xi32>
        %add3A_328 = arith.addi %select_n3A_325, %add3A_327 : vector<16xi32>
        %gather3A_329 = tpu.vector_load_idx %arg6[%add3A_328] : memref<128xf32, #tpu.memory_space<vmem>>[vector<16xi32>], vector<16xf32>,
        %lt3A_330 = arith.cmpf olt, %gather3A_329, %get3A_272 : vector<16xf32>
        %add3A_331 = arith.constant 1 : i32
        %add3A_332 = vector.broadcast %add3A_331 : i32 to vector<16xi32>
        %add3A_333 = arith.addi %select_n3A_325, %add3A_332 : vector<16xi32>
        %select_n3A_334 = arith.select %lt3A_330, %add3A_333, %select_n3A_325 : vector<16xi1>, vector<16xi32>
        %mul3A_335 = arith.constant 16 : i32
        %mul3A_336 = arith.muli %scan3A_267, %mul3A_335 : i32
        %swap3A = arith.constant 0 : i32
        %swap3A_337 = tpu.memref_slice %arg10[%scan3A_107, %swap3A] : memref<3x128xi32, #tpu.memory_space<vmem>> -> memref<1x128xi32, #tpu.memory_space<vmem>>
        %swap3A_338 = tpu.memref_squeeze %swap3A_337 : memref<1x128xi32, #tpu.memory_space<vmem>> -> memref<128xi32, #tpu.memory_space<vmem>>
        %swap3A_339 = arith.index_cast %mul3A_336 : i32 to index
        %swap3A_340 = tpu.vector_load %swap3A_338[%swap3A_339] {strides = array<i32>} : memref<128xi32, #tpu.memory_space<vmem>>, vector<16xi32>,
        tpu.vector_store %swap3A_338[%swap3A_339], %select_n3A_334 {strides = array<i32>} : memref<128xi32, #tpu.memory_space<vmem>>, vector<16xi32>,
      }
      %scan3A_112 = arith.constant 8 : i32
      %ge3A_113 = arith.constant 1 : i32
      %ge3A_114 = arith.cmpi sge, %scan3A_76, %ge3A_113 : i32
      %convert_element_type3A_115 = arith.extui %ge3A_114 : i1 to i32
      %cond3A_116 = arith.constant 0 : i32
      %cond3A_117 = arith.cmpi ne, %convert_element_type3A_115, %cond3A_116 : i32
      scf.if %cond3A_117 {
        %sub3A_267 = arith.constant 2 : i32
        %sub3A_268 = arith.subi %add3A_80, %sub3A_267 : i32
        %mul3A_269 = arith.constant 32 : i32
        %mul3A_270 = arith.muli %sub3A_268, %mul3A_269 : i32
        %add3A_271 = arith.addi %add3A, %mul3A_270 : i32
        %mul3A_272 = arith.constant 384 : i32
        %mul3A_273 = arith.muli %add3A_271, %mul3A_272 : i32
        %dma_wait3A_274 = arith.constant 0 : i32
        %dma_wait3A_275 = tpu.memref_slice %arg5[%mul3A_273, %dma_wait3A_274] : memref<500000x128xf32, #tpu.memory_space<hbm>> -> memref<384x128xf32, #tpu.memory_space<hbm>>
        %dma_wait3A_276 = arith.constant 0 : i32
        %dma_wait3A_277 = tpu.memref_slice %arg5[%mul3A_273, %dma_wait3A_276] : memref<500000x128xf32, #tpu.memory_space<hbm>> -> memref<384x128xf32, #tpu.memory_space<hbm>>
        tpu.wait_dma2 semaphore(%arg21 : memref<!tpu.dma_semaphore, #tpu.memory_space<semaphore_mem>>) src(%arg12 : memref<384x128xf32, #tpu.memory_space<vmem>>) dst(%dma_wait3A_277 : memref<384x128xf32, #tpu.memory_space<hbm>>)
      } else {
      }
      %dma_start3A_118 = arith.constant 0 : i32
      %dma_start3A_119 = arith.constant 0 : i32
      %dma_start3A_120 = arith.constant 0 : i32
      %dma_start3A_121 = tpu.memref_slice %arg12[%dma_start3A_119, %dma_start3A_120] : memref<384x128xf32, #tpu.memory_space<vmem>> -> memref<128x128xf32, #tpu.memory_space<vmem>>
      %dma_start3A_122 = arith.constant 0 : i32
      %dma_start3A_123 = tpu.memref_slice %arg10[%dma_start3A_118, %dma_start3A_122] : memref<3x128xi32, #tpu.memory_space<vmem>> -> memref<1x128xi32, #tpu.memory_space<vmem>>
      %dma_start3A_124 = tpu.memref_squeeze %dma_start3A_123 : memref<1x128xi32, #tpu.memory_space<vmem>> -> memref<128xi32, #tpu.memory_space<vmem>>
      %dma_start3A_125 = arith.constant 0 : i32
      %dma_start3A_126 = arith.constant 0 : i32
      %dma_start3A_127 = tpu.memref_slice %arg7[%dma_start3A_125, %dma_start3A_126] : memref<101x128xf32, #tpu.memory_space<vmem_shared>> -> memref<101x128xf32, #tpu.memory_space<vmem_shared>>
      tpu.enqueue_indirect_dma source(%dma_start3A_127 : memref<101x128xf32, #tpu.memory_space<vmem_shared>>) target(%dma_start3A_121 : memref<128x128xf32, #tpu.memory_space<vmem>>) offsets(%dma_start3A_124 : memref<128xi32, #tpu.memory_space<vmem>>) semaphore(%arg19 : memref<!tpu.dma_semaphore, #tpu.memory_space<semaphore_mem>>)
      %dma_start3A_128 = arith.constant 1 : i32
      %dma_start3A_129 = arith.constant 128 : i32
      %dma_start3A_130 = arith.constant 0 : i32
      %dma_start3A_131 = tpu.memref_slice %arg12[%dma_start3A_129, %dma_start3A_130] : memref<384x128xf32, #tpu.memory_space<vmem>> -> memref<128x128xf32, #tpu.memory_space<vmem>>
      %dma_start3A_132 = arith.constant 0 : i32
      %dma_start3A_133 = tpu.memref_slice %arg10[%dma_start3A_128, %dma_start3A_132] : memref<3x128xi32, #tpu.memory_space<vmem>> -> memref<1x128xi32, #tpu.memory_space<vmem>>
      %dma_start3A_134 = tpu.memref_squeeze %dma_start3A_133 : memref<1x128xi32, #tpu.memory_space<vmem>> -> memref<128xi32, #tpu.memory_space<vmem>>
      %dma_start3A_135 = arith.constant 0 : i32
      %dma_start3A_136 = arith.constant 0 : i32
      %dma_start3A_137 = tpu.memref_slice %arg7[%dma_start3A_135, %dma_start3A_136] : memref<101x128xf32, #tpu.memory_space<vmem_shared>> -> memref<101x128xf32, #tpu.memory_space<vmem_shared>>
      tpu.enqueue_indirect_dma source(%dma_start3A_137 : memref<101x128xf32, #tpu.memory_space<vmem_shared>>) target(%dma_start3A_131 : memref<128x128xf32, #tpu.memory_space<vmem>>) offsets(%dma_start3A_134 : memref<128xi32, #tpu.memory_space<vmem>>) semaphore(%arg19 : memref<!tpu.dma_semaphore, #tpu.memory_space<semaphore_mem>>)
      %dma_start3A_138 = arith.constant 2 : i32
      %dma_start3A_139 = arith.constant 256 : i32
      %dma_start3A_140 = arith.constant 0 : i32
      %dma_start3A_141 = tpu.memref_slice %arg12[%dma_start3A_139, %dma_start3A_140] : memref<384x128xf32, #tpu.memory_space<vmem>> -> memref<128x128xf32, #tpu.memory_space<vmem>>
      %dma_start3A_142 = arith.constant 0 : i32
      %dma_start3A_143 = tpu.memref_slice %arg10[%dma_start3A_138, %dma_start3A_142] : memref<3x128xi32, #tpu.memory_space<vmem>> -> memref<1x128xi32, #tpu.memory_space<vmem>>
      %dma_start3A_144 = tpu.memref_squeeze %dma_start3A_143 : memref<1x128xi32, #tpu.memory_space<vmem>> -> memref<128xi32, #tpu.memory_space<vmem>>
      %dma_start3A_145 = arith.constant 0 : i32
      %dma_start3A_146 = arith.constant 0 : i32
      %dma_start3A_147 = tpu.memref_slice %arg7[%dma_start3A_145, %dma_start3A_146] : memref<101x128xf32, #tpu.memory_space<vmem_shared>> -> memref<101x128xf32, #tpu.memory_space<vmem_shared>>
      tpu.enqueue_indirect_dma source(%dma_start3A_147 : memref<101x128xf32, #tpu.memory_space<vmem_shared>>) target(%dma_start3A_141 : memref<128x128xf32, #tpu.memory_space<vmem>>) offsets(%dma_start3A_144 : memref<128xi32, #tpu.memory_space<vmem>>) semaphore(%arg19 : memref<!tpu.dma_semaphore, #tpu.memory_space<semaphore_mem>>)
      %lt3A_148 = arith.constant 19 : i32
      %lt3A_149 = arith.cmpi slt, %scan3A_76, %lt3A_148 : i32
      %lt3A_150 = arith.constant 22 : i32
      %lt3A_151 = arith.cmpi slt, %add3A, %lt3A_150 : i32
      %or3A = arith.ori %lt3A_149, %lt3A_151 : i1
      %convert_element_type3A_152 = arith.extui %or3A : i1 to i32
      %cond3A_153 = arith.constant 0 : i32
      %cond3A_154 = arith.cmpi ne, %convert_element_type3A_152, %cond3A_153 : i32
      scf.if %cond3A_154 {
        %add3A_267 = arith.constant 2 : i32
        %add3A_268 = arith.addi %add3A_80, %add3A_267 : i32
        %mul3A_269 = arith.constant 32 : i32
        %mul3A_270 = arith.muli %add3A_268, %mul3A_269 : i32
        %add3A_271 = arith.addi %add3A, %mul3A_270 : i32
        %mul3A_272 = arith.constant 384 : i32
        %mul3A_273 = arith.muli %add3A_271, %mul3A_272 : i32
        %dma_start3A_274 = tpu.memref_slice %arg2[%mul3A_273] : memref<500000xf32, #tpu.memory_space<hbm>> -> memref<384xf32, #tpu.memory_space<hbm>>
        %dma_start3A_275 = tpu.memref_slice %arg2[%mul3A_273] : memref<500000xf32, #tpu.memory_space<hbm>> -> memref<384xf32, #tpu.memory_space<hbm>>
        tpu.enqueue_dma source(%dma_start3A_275 : memref<384xf32, #tpu.memory_space<hbm>>) target(%arg8 : memref<384xf32, #tpu.memory_space<vmem>>) target_semaphore(%arg17 : memref<!tpu.dma_semaphore, #tpu.memory_space<semaphore_mem>>)
      } else {
      }
      %mul3A_155 = arith.constant 2 : i32
      %mul3A_156 = arith.muli %mul3A_155, %scan3A_76 : i32
      %add3A_157 = arith.constant 1 : i32
      %add3A_158 = arith.addi %mul3A_156, %add3A_157 : i32
      %dma_wait3A_159 = arith.constant 0 : i32
      %dma_wait3A_160 = arith.constant 0 : i32
      %dma_wait3A_161 = arith.constant 0 : i32
      %dma_wait3A_162 = tpu.memref_slice %arg12[%dma_wait3A_160, %dma_wait3A_161] : memref<384x128xf32, #tpu.memory_space<vmem>> -> memref<128x128xf32, #tpu.memory_space<vmem>>
      %dma_wait3A_163 = arith.constant 0 : i32
      %dma_wait3A_164 = tpu.memref_slice %arg10[%dma_wait3A_159, %dma_wait3A_163] : memref<3x128xi32, #tpu.memory_space<vmem>> -> memref<1x128xi32, #tpu.memory_space<vmem>>
      %dma_wait3A_165 = tpu.memref_squeeze %dma_wait3A_164 : memref<1x128xi32, #tpu.memory_space<vmem>> -> memref<128xi32, #tpu.memory_space<vmem>>
      %dma_wait3A_166 = arith.constant 0 : i32
      %dma_wait3A_167 = arith.constant 0 : i32
      %dma_wait3A_168 = tpu.memref_slice %arg7[%dma_wait3A_166, %dma_wait3A_167] : memref<101x128xf32, #tpu.memory_space<vmem_shared>> -> memref<101x128xf32, #tpu.memory_space<vmem_shared>>
      tpu.wait_indirect_dma semaphore(%arg19 : memref<!tpu.dma_semaphore, #tpu.memory_space<semaphore_mem>>) src(%dma_wait3A_168 : memref<101x128xf32, #tpu.memory_space<vmem_shared>>) dst(%dma_wait3A_162 : memref<128x128xf32, #tpu.memory_space<vmem>>)
      %dma_wait3A_169 = arith.constant 1 : i32
      %dma_wait3A_170 = arith.constant 128 : i32
      %dma_wait3A_171 = arith.constant 0 : i32
      %dma_wait3A_172 = tpu.memref_slice %arg12[%dma_wait3A_170, %dma_wait3A_171] : memref<384x128xf32, #tpu.memory_space<vmem>> -> memref<128x128xf32, #tpu.memory_space<vmem>>
      %dma_wait3A_173 = arith.constant 0 : i32
      %dma_wait3A_174 = tpu.memref_slice %arg10[%dma_wait3A_169, %dma_wait3A_173] : memref<3x128xi32, #tpu.memory_space<vmem>> -> memref<1x128xi32, #tpu.memory_space<vmem>>
      %dma_wait3A_175 = tpu.memref_squeeze %dma_wait3A_174 : memref<1x128xi32, #tpu.memory_space<vmem>> -> memref<128xi32, #tpu.memory_space<vmem>>
      %dma_wait3A_176 = arith.constant 0 : i32
      %dma_wait3A_177 = arith.constant 0 : i32
      %dma_wait3A_178 = tpu.memref_slice %arg7[%dma_wait3A_176, %dma_wait3A_177] : memref<101x128xf32, #tpu.memory_space<vmem_shared>> -> memref<101x128xf32, #tpu.memory_space<vmem_shared>>
      tpu.wait_indirect_dma semaphore(%arg19 : memref<!tpu.dma_semaphore, #tpu.memory_space<semaphore_mem>>) src(%dma_wait3A_178 : memref<101x128xf32, #tpu.memory_space<vmem_shared>>) dst(%dma_wait3A_172 : memref<128x128xf32, #tpu.memory_space<vmem>>)
      %dma_wait3A_179 = arith.constant 2 : i32
      %dma_wait3A_180 = arith.constant 256 : i32
      %dma_wait3A_181 = arith.constant 0 : i32
      %dma_wait3A_182 = tpu.memref_slice %arg12[%dma_wait3A_180, %dma_wait3A_181] : memref<384x128xf32, #tpu.memory_space<vmem>> -> memref<128x128xf32, #tpu.memory_space<vmem>>
      %dma_wait3A_183 = arith.constant 0 : i32
      %dma_wait3A_184 = tpu.memref_slice %arg10[%dma_wait3A_179, %dma_wait3A_183] : memref<3x128xi32, #tpu.memory_space<vmem>> -> memref<1x128xi32, #tpu.memory_space<vmem>>
      %dma_wait3A_185 = tpu.memref_squeeze %dma_wait3A_184 : memref<1x128xi32, #tpu.memory_space<vmem>> -> memref<128xi32, #tpu.memory_space<vmem>>
      %dma_wait3A_186 = arith.constant 0 : i32
      %dma_wait3A_187 = arith.constant 0 : i32
      %dma_wait3A_188 = tpu.memref_slice %arg7[%dma_wait3A_186, %dma_wait3A_187] : memref<101x128xf32, #tpu.memory_space<vmem_shared>> -> memref<101x128xf32, #tpu.memory_space<vmem_shared>>
      tpu.wait_indirect_dma semaphore(%arg19 : memref<!tpu.dma_semaphore, #tpu.memory_space<semaphore_mem>>) src(%dma_wait3A_188 : memref<101x128xf32, #tpu.memory_space<vmem_shared>>) dst(%dma_wait3A_182 : memref<128x128xf32, #tpu.memory_space<vmem>>)
      %sub3A = arith.constant 1 : i32
      %sub3A_189 = arith.subi %add3A_158, %sub3A : i32
      %mul3A_190 = arith.constant 32 : i32
      %mul3A_191 = arith.muli %sub3A_189, %mul3A_190 : i32
      %add3A_192 = arith.addi %add3A, %mul3A_191 : i32
      %mul3A_193 = arith.constant 384 : i32
      %mul3A_194 = arith.muli %add3A_192, %mul3A_193 : i32
      %dma_start3A_195 = arith.constant 0 : i32
      %dma_start3A_196 = tpu.memref_slice %arg5[%mul3A_194, %dma_start3A_195] : memref<500000x128xf32, #tpu.memory_space<hbm>> -> memref<384x128xf32, #tpu.memory_space<hbm>>
      %dma_start3A_197 = arith.constant 0 : i32
      %dma_start3A_198 = tpu.memref_slice %arg5[%mul3A_194, %dma_start3A_197] : memref<500000x128xf32, #tpu.memory_space<hbm>> -> memref<384x128xf32, #tpu.memory_space<hbm>>
      tpu.enqueue_dma source(%arg12 : memref<384x128xf32, #tpu.memory_space<vmem>>) target(%dma_start3A_198 : memref<384x128xf32, #tpu.memory_space<hbm>>) target_semaphore(%arg21 : memref<!tpu.dma_semaphore, #tpu.memory_space<semaphore_mem>>)
      %mul3A_199 = arith.constant 32 : i32
      %mul3A_200 = arith.muli %add3A_158, %mul3A_199 : i32
      %add3A_201 = arith.addi %add3A, %mul3A_200 : i32
      %mul3A_202 = arith.constant 384 : i32
      %mul3A_203 = arith.muli %add3A_201, %mul3A_202 : i32
      %dma_wait3A_204 = tpu.memref_slice %arg2[%mul3A_203] : memref<500000xf32, #tpu.memory_space<hbm>> -> memref<384xf32, #tpu.memory_space<hbm>>
      %dma_wait3A_205 = tpu.memref_slice %arg2[%mul3A_203] : memref<500000xf32, #tpu.memory_space<hbm>> -> memref<384xf32, #tpu.memory_space<hbm>>
      tpu.wait_dma2 semaphore(%arg18 : memref<!tpu.dma_semaphore, #tpu.memory_space<semaphore_mem>>) src(%dma_wait3A_205 : memref<384xf32, #tpu.memory_space<hbm>>) dst(%arg9 : memref<384xf32, #tpu.memory_space<vmem>>)
      %scan3A_206 = arith.constant 0 : i32
      %scan3A_207 = arith.constant 0 : i32
      %scan3A_208 = arith.constant 0 : i32
      %scan3A_209 = arith.constant 8 : i32
      %scan3A_210 = arith.addi %scan3A_208, %scan3A_209 : i32
      %scan3A_211 = arith.constant 1 : i32
      scf.for %scan3A_267 = %scan3A_208 to %scan3A_210 step %scan3A_211  : i32 {
        %mul3A_268 = arith.constant 16 : i32
        %mul3A_269 = arith.muli %scan3A_267, %mul3A_268 : i32
        %add3A_270 = arith.constant 0 : i32
        %add3A_271 = arith.addi %add3A_270, %mul3A_269 : i32
        %get3A = arith.index_cast %add3A_271 : i32 to index
        %get3A_272 = tpu.vector_load %arg9[%get3A] {strides = array<i32>} : memref<384xf32, #tpu.memory_space<vmem>>, vector<16xf32>,
        %broadcast_in_dim3A = arith.constant 0 : i32
        %broadcast_in_dim3A_273 = vector.broadcast %broadcast_in_dim3A : i32 to vector<16xi32>
        %add3A_274 = arith.constant 63 : i32
        %add3A_275 = vector.broadcast %add3A_274 : i32 to vector<16xi32>
        %add3A_276 = arith.addi %broadcast_in_dim3A_273, %add3A_275 : vector<16xi32>
        %gather3A = tpu.vector_load_idx %arg6[%add3A_276] : memref<128xf32, #tpu.memory_space<vmem>>[vector<16xi32>], vector<16xf32>,
        %lt3A_277 = arith.cmpf olt, %gather3A, %get3A_272 : vector<16xf32>
        %add3A_278 = arith.constant 64 : i32
        %add3A_279 = vector.broadcast %add3A_278 : i32 to vector<16xi32>
        %add3A_280 = arith.addi %broadcast_in_dim3A_273, %add3A_279 : vector<16xi32>
        %select_n3A = arith.select %lt3A_277, %add3A_280, %broadcast_in_dim3A_273 : vector<16xi1>, vector<16xi32>
        %add3A_281 = arith.constant 31 : i32
        %add3A_282 = vector.broadcast %add3A_281 : i32 to vector<16xi32>
        %add3A_283 = arith.addi %select_n3A, %add3A_282 : vector<16xi32>
        %gather3A_284 = tpu.vector_load_idx %arg6[%add3A_283] : memref<128xf32, #tpu.memory_space<vmem>>[vector<16xi32>], vector<16xf32>,
        %lt3A_285 = arith.cmpf olt, %gather3A_284, %get3A_272 : vector<16xf32>
        %add3A_286 = arith.constant 32 : i32
        %add3A_287 = vector.broadcast %add3A_286 : i32 to vector<16xi32>
        %add3A_288 = arith.addi %select_n3A, %add3A_287 : vector<16xi32>
        %select_n3A_289 = arith.select %lt3A_285, %add3A_288, %select_n3A : vector<16xi1>, vector<16xi32>
        %add3A_290 = arith.constant 15 : i32
        %add3A_291 = vector.broadcast %add3A_290 : i32 to vector<16xi32>
        %add3A_292 = arith.addi %select_n3A_289, %add3A_291 : vector<16xi32>
        %gather3A_293 = tpu.vector_load_idx %arg6[%add3A_292] : memref<128xf32, #tpu.memory_space<vmem>>[vector<16xi32>], vector<16xf32>,
        %lt3A_294 = arith.cmpf olt, %gather3A_293, %get3A_272 : vector<16xf32>
        %add3A_295 = arith.constant 16 : i32
        %add3A_296 = vector.broadcast %add3A_295 : i32 to vector<16xi32>
        %add3A_297 = arith.addi %select_n3A_289, %add3A_296 : vector<16xi32>
        %select_n3A_298 = arith.select %lt3A_294, %add3A_297, %select_n3A_289 : vector<16xi1>, vector<16xi32>
        %add3A_299 = arith.constant 7 : i32
        %add3A_300 = vector.broadcast %add3A_299 : i32 to vector<16xi32>
        %add3A_301 = arith.addi %select_n3A_298, %add3A_300 : vector<16xi32>
        %gather3A_302 = tpu.vector_load_idx %arg6[%add3A_301] : memref<128xf32, #tpu.memory_space<vmem>>[vector<16xi32>], vector<16xf32>,
        %lt3A_303 = arith.cmpf olt, %gather3A_302, %get3A_272 : vector<16xf32>
        %add3A_304 = arith.constant 8 : i32
        %add3A_305 = vector.broadcast %add3A_304 : i32 to vector<16xi32>
        %add3A_306 = arith.addi %select_n3A_298, %add3A_305 : vector<16xi32>
        %select_n3A_307 = arith.select %lt3A_303, %add3A_306, %select_n3A_298 : vector<16xi1>, vector<16xi32>
        %add3A_308 = arith.constant 3 : i32
        %add3A_309 = vector.broadcast %add3A_308 : i32 to vector<16xi32>
        %add3A_310 = arith.addi %select_n3A_307, %add3A_309 : vector<16xi32>
        %gather3A_311 = tpu.vector_load_idx %arg6[%add3A_310] : memref<128xf32, #tpu.memory_space<vmem>>[vector<16xi32>], vector<16xf32>,
        %lt3A_312 = arith.cmpf olt, %gather3A_311, %get3A_272 : vector<16xf32>
        %add3A_313 = arith.constant 4 : i32
        %add3A_314 = vector.broadcast %add3A_313 : i32 to vector<16xi32>
        %add3A_315 = arith.addi %select_n3A_307, %add3A_314 : vector<16xi32>
        %select_n3A_316 = arith.select %lt3A_312, %add3A_315, %select_n3A_307 : vector<16xi1>, vector<16xi32>
        %add3A_317 = arith.constant 1 : i32
        %add3A_318 = vector.broadcast %add3A_317 : i32 to vector<16xi32>
        %add3A_319 = arith.addi %select_n3A_316, %add3A_318 : vector<16xi32>
        %gather3A_320 = tpu.vector_load_idx %arg6[%add3A_319] : memref<128xf32, #tpu.memory_space<vmem>>[vector<16xi32>], vector<16xf32>,
        %lt3A_321 = arith.cmpf olt, %gather3A_320, %get3A_272 : vector<16xf32>
        %add3A_322 = arith.constant 2 : i32
        %add3A_323 = vector.broadcast %add3A_322 : i32 to vector<16xi32>
        %add3A_324 = arith.addi %select_n3A_316, %add3A_323 : vector<16xi32>
        %select_n3A_325 = arith.select %lt3A_321, %add3A_324, %select_n3A_316 : vector<16xi1>, vector<16xi32>
        %add3A_326 = arith.constant 0 : i32
        %add3A_327 = vector.broadcast %add3A_326 : i32 to vector<16xi32>
        %add3A_328 = arith.addi %select_n3A_325, %add3A_327 : vector<16xi32>
        %gather3A_329 = tpu.vector_load_idx %arg6[%add3A_328] : memref<128xf32, #tpu.memory_space<vmem>>[vector<16xi32>], vector<16xf32>,
        %lt3A_330 = arith.cmpf olt, %gather3A_329, %get3A_272 : vector<16xf32>
        %add3A_331 = arith.constant 1 : i32
        %add3A_332 = vector.broadcast %add3A_331 : i32 to vector<16xi32>
        %add3A_333 = arith.addi %select_n3A_325, %add3A_332 : vector<16xi32>
        %select_n3A_334 = arith.select %lt3A_330, %add3A_333, %select_n3A_325 : vector<16xi1>, vector<16xi32>
        %mul3A_335 = arith.constant 16 : i32
        %mul3A_336 = arith.muli %scan3A_267, %mul3A_335 : i32
        %swap3A = arith.constant 0 : i32
        %swap3A_337 = tpu.memref_slice %arg11[%scan3A_207, %swap3A] : memref<3x128xi32, #tpu.memory_space<vmem>> -> memref<1x128xi32, #tpu.memory_space<vmem>>
        %swap3A_338 = tpu.memref_squeeze %swap3A_337 : memref<1x128xi32, #tpu.memory_space<vmem>> -> memref<128xi32, #tpu.memory_space<vmem>>
        %swap3A_339 = arith.index_cast %mul3A_336 : i32 to index
        %swap3A_340 = tpu.vector_load %swap3A_338[%swap3A_339] {strides = array<i32>} : memref<128xi32, #tpu.memory_space<vmem>>, vector<16xi32>,
        tpu.vector_store %swap3A_338[%swap3A_339], %select_n3A_334 {strides = array<i32>} : memref<128xi32, #tpu.memory_space<vmem>>, vector<16xi32>,
      }
      %scan3A_212 = arith.constant 8 : i32
      %scan3A_213 = arith.constant 0 : i32
      %scan3A_214 = arith.constant 1 : i32
      %scan3A_215 = arith.constant 0 : i32
      %scan3A_216 = arith.constant 8 : i32
      %scan3A_217 = arith.addi %scan3A_215, %scan3A_216 : i32
      %scan3A_218 = arith.constant 1 : i32
      scf.for %scan3A_267 = %scan3A_215 to %scan3A_217 step %scan3A_218  : i32 {
        %mul3A_268 = arith.constant 16 : i32
        %mul3A_269 = arith.muli %scan3A_267, %mul3A_268 : i32
        %add3A_270 = arith.constant 128 : i32
        %add3A_271 = arith.addi %add3A_270, %mul3A_269 : i32
        %get3A = arith.index_cast %add3A_271 : i32 to index
        %get3A_272 = tpu.vector_load %arg9[%get3A] {strides = array<i32>} : memref<384xf32, #tpu.memory_space<vmem>>, vector<16xf32>,
        %broadcast_in_dim3A = arith.constant 0 : i32
        %broadcast_in_dim3A_273 = vector.broadcast %broadcast_in_dim3A : i32 to vector<16xi32>
        %add3A_274 = arith.constant 63 : i32
        %add3A_275 = vector.broadcast %add3A_274 : i32 to vector<16xi32>
        %add3A_276 = arith.addi %broadcast_in_dim3A_273, %add3A_275 : vector<16xi32>
        %gather3A = tpu.vector_load_idx %arg6[%add3A_276] : memref<128xf32, #tpu.memory_space<vmem>>[vector<16xi32>], vector<16xf32>,
        %lt3A_277 = arith.cmpf olt, %gather3A, %get3A_272 : vector<16xf32>
        %add3A_278 = arith.constant 64 : i32
        %add3A_279 = vector.broadcast %add3A_278 : i32 to vector<16xi32>
        %add3A_280 = arith.addi %broadcast_in_dim3A_273, %add3A_279 : vector<16xi32>
        %select_n3A = arith.select %lt3A_277, %add3A_280, %broadcast_in_dim3A_273 : vector<16xi1>, vector<16xi32>
        %add3A_281 = arith.constant 31 : i32
        %add3A_282 = vector.broadcast %add3A_281 : i32 to vector<16xi32>
        %add3A_283 = arith.addi %select_n3A, %add3A_282 : vector<16xi32>
        %gather3A_284 = tpu.vector_load_idx %arg6[%add3A_283] : memref<128xf32, #tpu.memory_space<vmem>>[vector<16xi32>], vector<16xf32>,
        %lt3A_285 = arith.cmpf olt, %gather3A_284, %get3A_272 : vector<16xf32>
        %add3A_286 = arith.constant 32 : i32
        %add3A_287 = vector.broadcast %add3A_286 : i32 to vector<16xi32>
        %add3A_288 = arith.addi %select_n3A, %add3A_287 : vector<16xi32>
        %select_n3A_289 = arith.select %lt3A_285, %add3A_288, %select_n3A : vector<16xi1>, vector<16xi32>
        %add3A_290 = arith.constant 15 : i32
        %add3A_291 = vector.broadcast %add3A_290 : i32 to vector<16xi32>
        %add3A_292 = arith.addi %select_n3A_289, %add3A_291 : vector<16xi32>
        %gather3A_293 = tpu.vector_load_idx %arg6[%add3A_292] : memref<128xf32, #tpu.memory_space<vmem>>[vector<16xi32>], vector<16xf32>,
        %lt3A_294 = arith.cmpf olt, %gather3A_293, %get3A_272 : vector<16xf32>
        %add3A_295 = arith.constant 16 : i32
        %add3A_296 = vector.broadcast %add3A_295 : i32 to vector<16xi32>
        %add3A_297 = arith.addi %select_n3A_289, %add3A_296 : vector<16xi32>
        %select_n3A_298 = arith.select %lt3A_294, %add3A_297, %select_n3A_289 : vector<16xi1>, vector<16xi32>
        %add3A_299 = arith.constant 7 : i32
        %add3A_300 = vector.broadcast %add3A_299 : i32 to vector<16xi32>
        %add3A_301 = arith.addi %select_n3A_298, %add3A_300 : vector<16xi32>
        %gather3A_302 = tpu.vector_load_idx %arg6[%add3A_301] : memref<128xf32, #tpu.memory_space<vmem>>[vector<16xi32>], vector<16xf32>,
        %lt3A_303 = arith.cmpf olt, %gather3A_302, %get3A_272 : vector<16xf32>
        %add3A_304 = arith.constant 8 : i32
        %add3A_305 = vector.broadcast %add3A_304 : i32 to vector<16xi32>
        %add3A_306 = arith.addi %select_n3A_298, %add3A_305 : vector<16xi32>
        %select_n3A_307 = arith.select %lt3A_303, %add3A_306, %select_n3A_298 : vector<16xi1>, vector<16xi32>
        %add3A_308 = arith.constant 3 : i32
        %add3A_309 = vector.broadcast %add3A_308 : i32 to vector<16xi32>
        %add3A_310 = arith.addi %select_n3A_307, %add3A_309 : vector<16xi32>
        %gather3A_311 = tpu.vector_load_idx %arg6[%add3A_310] : memref<128xf32, #tpu.memory_space<vmem>>[vector<16xi32>], vector<16xf32>,
        %lt3A_312 = arith.cmpf olt, %gather3A_311, %get3A_272 : vector<16xf32>
        %add3A_313 = arith.constant 4 : i32
        %add3A_314 = vector.broadcast %add3A_313 : i32 to vector<16xi32>
        %add3A_315 = arith.addi %select_n3A_307, %add3A_314 : vector<16xi32>
        %select_n3A_316 = arith.select %lt3A_312, %add3A_315, %select_n3A_307 : vector<16xi1>, vector<16xi32>
        %add3A_317 = arith.constant 1 : i32
        %add3A_318 = vector.broadcast %add3A_317 : i32 to vector<16xi32>
        %add3A_319 = arith.addi %select_n3A_316, %add3A_318 : vector<16xi32>
        %gather3A_320 = tpu.vector_load_idx %arg6[%add3A_319] : memref<128xf32, #tpu.memory_space<vmem>>[vector<16xi32>], vector<16xf32>,
        %lt3A_321 = arith.cmpf olt, %gather3A_320, %get3A_272 : vector<16xf32>
        %add3A_322 = arith.constant 2 : i32
        %add3A_323 = vector.broadcast %add3A_322 : i32 to vector<16xi32>
        %add3A_324 = arith.addi %select_n3A_316, %add3A_323 : vector<16xi32>
        %select_n3A_325 = arith.select %lt3A_321, %add3A_324, %select_n3A_316 : vector<16xi1>, vector<16xi32>
        %add3A_326 = arith.constant 0 : i32
        %add3A_327 = vector.broadcast %add3A_326 : i32 to vector<16xi32>
        %add3A_328 = arith.addi %select_n3A_325, %add3A_327 : vector<16xi32>
        %gather3A_329 = tpu.vector_load_idx %arg6[%add3A_328] : memref<128xf32, #tpu.memory_space<vmem>>[vector<16xi32>], vector<16xf32>,
        %lt3A_330 = arith.cmpf olt, %gather3A_329, %get3A_272 : vector<16xf32>
        %add3A_331 = arith.constant 1 : i32
        %add3A_332 = vector.broadcast %add3A_331 : i32 to vector<16xi32>
        %add3A_333 = arith.addi %select_n3A_325, %add3A_332 : vector<16xi32>
        %select_n3A_334 = arith.select %lt3A_330, %add3A_333, %select_n3A_325 : vector<16xi1>, vector<16xi32>
        %mul3A_335 = arith.constant 16 : i32
        %mul3A_336 = arith.muli %scan3A_267, %mul3A_335 : i32
        %swap3A = arith.constant 0 : i32
        %swap3A_337 = tpu.memref_slice %arg11[%scan3A_214, %swap3A] : memref<3x128xi32, #tpu.memory_space<vmem>> -> memref<1x128xi32, #tpu.memory_space<vmem>>
        %swap3A_338 = tpu.memref_squeeze %swap3A_337 : memref<1x128xi32, #tpu.memory_space<vmem>> -> memref<128xi32, #tpu.memory_space<vmem>>
        %swap3A_339 = arith.index_cast %mul3A_336 : i32 to index
        %swap3A_340 = tpu.vector_load %swap3A_338[%swap3A_339] {strides = array<i32>} : memref<128xi32, #tpu.memory_space<vmem>>, vector<16xi32>,
        tpu.vector_store %swap3A_338[%swap3A_339], %select_n3A_334 {strides = array<i32>} : memref<128xi32, #tpu.memory_space<vmem>>, vector<16xi32>,
      }
      %scan3A_219 = arith.constant 8 : i32
      %scan3A_220 = arith.constant 0 : i32
      %scan3A_221 = arith.constant 2 : i32
      %scan3A_222 = arith.constant 0 : i32
      %scan3A_223 = arith.constant 8 : i32
      %scan3A_224 = arith.addi %scan3A_222, %scan3A_223 : i32
      %scan3A_225 = arith.constant 1 : i32
      scf.for %scan3A_267 = %scan3A_222 to %scan3A_224 step %scan3A_225  : i32 {
        %mul3A_268 = arith.constant 16 : i32
        %mul3A_269 = arith.muli %scan3A_267, %mul3A_268 : i32
        %add3A_270 = arith.constant 256 : i32
        %add3A_271 = arith.addi %add3A_270, %mul3A_269 : i32
        %get3A = arith.index_cast %add3A_271 : i32 to index
        %get3A_272 = tpu.vector_load %arg9[%get3A] {strides = array<i32>} : memref<384xf32, #tpu.memory_space<vmem>>, vector<16xf32>,
        %broadcast_in_dim3A = arith.constant 0 : i32
        %broadcast_in_dim3A_273 = vector.broadcast %broadcast_in_dim3A : i32 to vector<16xi32>
        %add3A_274 = arith.constant 63 : i32
        %add3A_275 = vector.broadcast %add3A_274 : i32 to vector<16xi32>
        %add3A_276 = arith.addi %broadcast_in_dim3A_273, %add3A_275 : vector<16xi32>
        %gather3A = tpu.vector_load_idx %arg6[%add3A_276] : memref<128xf32, #tpu.memory_space<vmem>>[vector<16xi32>], vector<16xf32>,
        %lt3A_277 = arith.cmpf olt, %gather3A, %get3A_272 : vector<16xf32>
        %add3A_278 = arith.constant 64 : i32
        %add3A_279 = vector.broadcast %add3A_278 : i32 to vector<16xi32>
        %add3A_280 = arith.addi %broadcast_in_dim3A_273, %add3A_279 : vector<16xi32>
        %select_n3A = arith.select %lt3A_277, %add3A_280, %broadcast_in_dim3A_273 : vector<16xi1>, vector<16xi32>
        %add3A_281 = arith.constant 31 : i32
        %add3A_282 = vector.broadcast %add3A_281 : i32 to vector<16xi32>
        %add3A_283 = arith.addi %select_n3A, %add3A_282 : vector<16xi32>
        %gather3A_284 = tpu.vector_load_idx %arg6[%add3A_283] : memref<128xf32, #tpu.memory_space<vmem>>[vector<16xi32>], vector<16xf32>,
        %lt3A_285 = arith.cmpf olt, %gather3A_284, %get3A_272 : vector<16xf32>
        %add3A_286 = arith.constant 32 : i32
        %add3A_287 = vector.broadcast %add3A_286 : i32 to vector<16xi32>
        %add3A_288 = arith.addi %select_n3A, %add3A_287 : vector<16xi32>
        %select_n3A_289 = arith.select %lt3A_285, %add3A_288, %select_n3A : vector<16xi1>, vector<16xi32>
        %add3A_290 = arith.constant 15 : i32
        %add3A_291 = vector.broadcast %add3A_290 : i32 to vector<16xi32>
        %add3A_292 = arith.addi %select_n3A_289, %add3A_291 : vector<16xi32>
        %gather3A_293 = tpu.vector_load_idx %arg6[%add3A_292] : memref<128xf32, #tpu.memory_space<vmem>>[vector<16xi32>], vector<16xf32>,
        %lt3A_294 = arith.cmpf olt, %gather3A_293, %get3A_272 : vector<16xf32>
        %add3A_295 = arith.constant 16 : i32
        %add3A_296 = vector.broadcast %add3A_295 : i32 to vector<16xi32>
        %add3A_297 = arith.addi %select_n3A_289, %add3A_296 : vector<16xi32>
        %select_n3A_298 = arith.select %lt3A_294, %add3A_297, %select_n3A_289 : vector<16xi1>, vector<16xi32>
        %add3A_299 = arith.constant 7 : i32
        %add3A_300 = vector.broadcast %add3A_299 : i32 to vector<16xi32>
        %add3A_301 = arith.addi %select_n3A_298, %add3A_300 : vector<16xi32>
        %gather3A_302 = tpu.vector_load_idx %arg6[%add3A_301] : memref<128xf32, #tpu.memory_space<vmem>>[vector<16xi32>], vector<16xf32>,
        %lt3A_303 = arith.cmpf olt, %gather3A_302, %get3A_272 : vector<16xf32>
        %add3A_304 = arith.constant 8 : i32
        %add3A_305 = vector.broadcast %add3A_304 : i32 to vector<16xi32>
        %add3A_306 = arith.addi %select_n3A_298, %add3A_305 : vector<16xi32>
        %select_n3A_307 = arith.select %lt3A_303, %add3A_306, %select_n3A_298 : vector<16xi1>, vector<16xi32>
        %add3A_308 = arith.constant 3 : i32
        %add3A_309 = vector.broadcast %add3A_308 : i32 to vector<16xi32>
        %add3A_310 = arith.addi %select_n3A_307, %add3A_309 : vector<16xi32>
        %gather3A_311 = tpu.vector_load_idx %arg6[%add3A_310] : memref<128xf32, #tpu.memory_space<vmem>>[vector<16xi32>], vector<16xf32>,
        %lt3A_312 = arith.cmpf olt, %gather3A_311, %get3A_272 : vector<16xf32>
        %add3A_313 = arith.constant 4 : i32
        %add3A_314 = vector.broadcast %add3A_313 : i32 to vector<16xi32>
        %add3A_315 = arith.addi %select_n3A_307, %add3A_314 : vector<16xi32>
        %select_n3A_316 = arith.select %lt3A_312, %add3A_315, %select_n3A_307 : vector<16xi1>, vector<16xi32>
        %add3A_317 = arith.constant 1 : i32
        %add3A_318 = vector.broadcast %add3A_317 : i32 to vector<16xi32>
        %add3A_319 = arith.addi %select_n3A_316, %add3A_318 : vector<16xi32>
        %gather3A_320 = tpu.vector_load_idx %arg6[%add3A_319] : memref<128xf32, #tpu.memory_space<vmem>>[vector<16xi32>], vector<16xf32>,
        %lt3A_321 = arith.cmpf olt, %gather3A_320, %get3A_272 : vector<16xf32>
        %add3A_322 = arith.constant 2 : i32
        %add3A_323 = vector.broadcast %add3A_322 : i32 to vector<16xi32>
        %add3A_324 = arith.addi %select_n3A_316, %add3A_323 : vector<16xi32>
        %select_n3A_325 = arith.select %lt3A_321, %add3A_324, %select_n3A_316 : vector<16xi1>, vector<16xi32>
        %add3A_326 = arith.constant 0 : i32
        %add3A_327 = vector.broadcast %add3A_326 : i32 to vector<16xi32>
        %add3A_328 = arith.addi %select_n3A_325, %add3A_327 : vector<16xi32>
        %gather3A_329 = tpu.vector_load_idx %arg6[%add3A_328] : memref<128xf32, #tpu.memory_space<vmem>>[vector<16xi32>], vector<16xf32>,
        %lt3A_330 = arith.cmpf olt, %gather3A_329, %get3A_272 : vector<16xf32>
        %add3A_331 = arith.constant 1 : i32
        %add3A_332 = vector.broadcast %add3A_331 : i32 to vector<16xi32>
        %add3A_333 = arith.addi %select_n3A_325, %add3A_332 : vector<16xi32>
        %select_n3A_334 = arith.select %lt3A_330, %add3A_333, %select_n3A_325 : vector<16xi1>, vector<16xi32>
        %mul3A_335 = arith.constant 16 : i32
        %mul3A_336 = arith.muli %scan3A_267, %mul3A_335 : i32
        %swap3A = arith.constant 0 : i32
        %swap3A_337 = tpu.memref_slice %arg11[%scan3A_221, %swap3A] : memref<3x128xi32, #tpu.memory_space<vmem>> -> memref<1x128xi32, #tpu.memory_space<vmem>>
        %swap3A_338 = tpu.memref_squeeze %swap3A_337 : memref<1x128xi32, #tpu.memory_space<vmem>> -> memref<128xi32, #tpu.memory_space<vmem>>
        %swap3A_339 = arith.index_cast %mul3A_336 : i32 to index
        %swap3A_340 = tpu.vector_load %swap3A_338[%swap3A_339] {strides = array<i32>} : memref<128xi32, #tpu.memory_space<vmem>>, vector<16xi32>,
        tpu.vector_store %swap3A_338[%swap3A_339], %select_n3A_334 {strides = array<i32>} : memref<128xi32, #tpu.memory_space<vmem>>, vector<16xi32>,
      }
      %scan3A_226 = arith.constant 8 : i32
      %ge3A_227 = arith.constant 1 : i32
      %ge3A_228 = arith.cmpi sge, %scan3A_76, %ge3A_227 : i32
      %convert_element_type3A_229 = arith.extui %ge3A_228 : i1 to i32
      %cond3A_230 = arith.constant 0 : i32
      %cond3A_231 = arith.cmpi ne, %convert_element_type3A_229, %cond3A_230 : i32
      scf.if %cond3A_231 {
        %sub3A_267 = arith.constant 2 : i32
        %sub3A_268 = arith.subi %add3A_158, %sub3A_267 : i32
        %mul3A_269 = arith.constant 32 : i32
        %mul3A_270 = arith.muli %sub3A_268, %mul3A_269 : i32
        %add3A_271 = arith.addi %add3A, %mul3A_270 : i32
        %mul3A_272 = arith.constant 384 : i32
        %mul3A_273 = arith.muli %add3A_271, %mul3A_272 : i32
        %dma_wait3A_274 = arith.constant 0 : i32
        %dma_wait3A_275 = tpu.memref_slice %arg5[%mul3A_273, %dma_wait3A_274] : memref<500000x128xf32, #tpu.memory_space<hbm>> -> memref<384x128xf32, #tpu.memory_space<hbm>>
        %dma_wait3A_276 = arith.constant 0 : i32
        %dma_wait3A_277 = tpu.memref_slice %arg5[%mul3A_273, %dma_wait3A_276] : memref<500000x128xf32, #tpu.memory_space<hbm>> -> memref<384x128xf32, #tpu.memory_space<hbm>>
        tpu.wait_dma2 semaphore(%arg22 : memref<!tpu.dma_semaphore, #tpu.memory_space<semaphore_mem>>) src(%arg13 : memref<384x128xf32, #tpu.memory_space<vmem>>) dst(%dma_wait3A_277 : memref<384x128xf32, #tpu.memory_space<hbm>>)
      } else {
      }
      %dma_start3A_232 = arith.constant 0 : i32
      %dma_start3A_233 = arith.constant 0 : i32
      %dma_start3A_234 = arith.constant 0 : i32
      %dma_start3A_235 = tpu.memref_slice %arg13[%dma_start3A_233, %dma_start3A_234] : memref<384x128xf32, #tpu.memory_space<vmem>> -> memref<128x128xf32, #tpu.memory_space<vmem>>
      %dma_start3A_236 = arith.constant 0 : i32
      %dma_start3A_237 = tpu.memref_slice %arg11[%dma_start3A_232, %dma_start3A_236] : memref<3x128xi32, #tpu.memory_space<vmem>> -> memref<1x128xi32, #tpu.memory_space<vmem>>
      %dma_start3A_238 = tpu.memref_squeeze %dma_start3A_237 : memref<1x128xi32, #tpu.memory_space<vmem>> -> memref<128xi32, #tpu.memory_space<vmem>>
      %dma_start3A_239 = arith.constant 0 : i32
      %dma_start3A_240 = arith.constant 0 : i32
      %dma_start3A_241 = tpu.memref_slice %arg7[%dma_start3A_239, %dma_start3A_240] : memref<101x128xf32, #tpu.memory_space<vmem_shared>> -> memref<101x128xf32, #tpu.memory_space<vmem_shared>>
      tpu.enqueue_indirect_dma source(%dma_start3A_241 : memref<101x128xf32, #tpu.memory_space<vmem_shared>>) target(%dma_start3A_235 : memref<128x128xf32, #tpu.memory_space<vmem>>) offsets(%dma_start3A_238 : memref<128xi32, #tpu.memory_space<vmem>>) semaphore(%arg20 : memref<!tpu.dma_semaphore, #tpu.memory_space<semaphore_mem>>)
      %dma_start3A_242 = arith.constant 1 : i32
      %dma_start3A_243 = arith.constant 128 : i32
      %dma_start3A_244 = arith.constant 0 : i32
      %dma_start3A_245 = tpu.memref_slice %arg13[%dma_start3A_243, %dma_start3A_244] : memref<384x128xf32, #tpu.memory_space<vmem>> -> memref<128x128xf32, #tpu.memory_space<vmem>>
      %dma_start3A_246 = arith.constant 0 : i32
      %dma_start3A_247 = tpu.memref_slice %arg11[%dma_start3A_242, %dma_start3A_246] : memref<3x128xi32, #tpu.memory_space<vmem>> -> memref<1x128xi32, #tpu.memory_space<vmem>>
      %dma_start3A_248 = tpu.memref_squeeze %dma_start3A_247 : memref<1x128xi32, #tpu.memory_space<vmem>> -> memref<128xi32, #tpu.memory_space<vmem>>
      %dma_start3A_249 = arith.constant 0 : i32
      %dma_start3A_250 = arith.constant 0 : i32
      %dma_start3A_251 = tpu.memref_slice %arg7[%dma_start3A_249, %dma_start3A_250] : memref<101x128xf32, #tpu.memory_space<vmem_shared>> -> memref<101x128xf32, #tpu.memory_space<vmem_shared>>
      tpu.enqueue_indirect_dma source(%dma_start3A_251 : memref<101x128xf32, #tpu.memory_space<vmem_shared>>) target(%dma_start3A_245 : memref<128x128xf32, #tpu.memory_space<vmem>>) offsets(%dma_start3A_248 : memref<128xi32, #tpu.memory_space<vmem>>) semaphore(%arg20 : memref<!tpu.dma_semaphore, #tpu.memory_space<semaphore_mem>>)
      %dma_start3A_252 = arith.constant 2 : i32
      %dma_start3A_253 = arith.constant 256 : i32
      %dma_start3A_254 = arith.constant 0 : i32
      %dma_start3A_255 = tpu.memref_slice %arg13[%dma_start3A_253, %dma_start3A_254] : memref<384x128xf32, #tpu.memory_space<vmem>> -> memref<128x128xf32, #tpu.memory_space<vmem>>
      %dma_start3A_256 = arith.constant 0 : i32
      %dma_start3A_257 = tpu.memref_slice %arg11[%dma_start3A_252, %dma_start3A_256] : memref<3x128xi32, #tpu.memory_space<vmem>> -> memref<1x128xi32, #tpu.memory_space<vmem>>
      %dma_start3A_258 = tpu.memref_squeeze %dma_start3A_257 : memref<1x128xi32, #tpu.memory_space<vmem>> -> memref<128xi32, #tpu.memory_space<vmem>>
      %dma_start3A_259 = arith.constant 0 : i32
      %dma_start3A_260 = arith.constant 0 : i32
      %dma_start3A_261 = tpu.memref_slice %arg7[%dma_start3A_259, %dma_start3A_260] : memref<101x128xf32, #tpu.memory_space<vmem_shared>> -> memref<101x128xf32, #tpu.memory_space<vmem_shared>>
      tpu.enqueue_indirect_dma source(%dma_start3A_261 : memref<101x128xf32, #tpu.memory_space<vmem_shared>>) target(%dma_start3A_255 : memref<128x128xf32, #tpu.memory_space<vmem>>) offsets(%dma_start3A_258 : memref<128xi32, #tpu.memory_space<vmem>>) semaphore(%arg20 : memref<!tpu.dma_semaphore, #tpu.memory_space<semaphore_mem>>)
      %lt3A_262 = arith.constant 19 : i32
      %lt3A_263 = arith.cmpi slt, %scan3A_76, %lt3A_262 : i32
      %convert_element_type3A_264 = arith.extui %lt3A_263 : i1 to i32
      %cond3A_265 = arith.constant 0 : i32
      %cond3A_266 = arith.cmpi ne, %convert_element_type3A_264, %cond3A_265 : i32
      scf.if %cond3A_266 {
        %add3A_267 = arith.constant 2 : i32
        %add3A_268 = arith.addi %add3A_158, %add3A_267 : i32
        %mul3A_269 = arith.constant 32 : i32
        %mul3A_270 = arith.muli %add3A_268, %mul3A_269 : i32
        %add3A_271 = arith.addi %add3A, %mul3A_270 : i32
        %mul3A_272 = arith.constant 384 : i32
        %mul3A_273 = arith.muli %add3A_271, %mul3A_272 : i32
        %dma_start3A_274 = tpu.memref_slice %arg2[%mul3A_273] : memref<500000xf32, #tpu.memory_space<hbm>> -> memref<384xf32, #tpu.memory_space<hbm>>
        %dma_start3A_275 = tpu.memref_slice %arg2[%mul3A_273] : memref<500000xf32, #tpu.memory_space<hbm>> -> memref<384xf32, #tpu.memory_space<hbm>>
        tpu.enqueue_dma source(%dma_start3A_275 : memref<384xf32, #tpu.memory_space<hbm>>) target(%arg9 : memref<384xf32, #tpu.memory_space<vmem>>) target_semaphore(%arg18 : memref<!tpu.dma_semaphore, #tpu.memory_space<semaphore_mem>>)
      } else {
      }
    }
    %scan3A_16 = arith.constant 20 : i32
    %dma_wait3A = arith.constant 0 : i32
    %dma_wait3A_17 = arith.constant 0 : i32
    %dma_wait3A_18 = arith.constant 0 : i32
    %dma_wait3A_19 = tpu.memref_slice %arg13[%dma_wait3A_17, %dma_wait3A_18] : memref<384x128xf32, #tpu.memory_space<vmem>> -> memref<128x128xf32, #tpu.memory_space<vmem>>
    %dma_wait3A_20 = arith.constant 0 : i32
    %dma_wait3A_21 = tpu.memref_slice %arg11[%dma_wait3A, %dma_wait3A_20] : memref<3x128xi32, #tpu.memory_space<vmem>> -> memref<1x128xi32, #tpu.memory_space<vmem>>
    %dma_wait3A_22 = tpu.memref_squeeze %dma_wait3A_21 : memref<1x128xi32, #tpu.memory_space<vmem>> -> memref<128xi32, #tpu.memory_space<vmem>>
    %dma_wait3A_23 = arith.constant 0 : i32
    %dma_wait3A_24 = arith.constant 0 : i32
    %dma_wait3A_25 = tpu.memref_slice %arg7[%dma_wait3A_23, %dma_wait3A_24] : memref<101x128xf32, #tpu.memory_space<vmem_shared>> -> memref<101x128xf32, #tpu.memory_space<vmem_shared>>
    tpu.wait_indirect_dma semaphore(%arg20 : memref<!tpu.dma_semaphore, #tpu.memory_space<semaphore_mem>>) src(%dma_wait3A_25 : memref<101x128xf32, #tpu.memory_space<vmem_shared>>) dst(%dma_wait3A_19 : memref<128x128xf32, #tpu.memory_space<vmem>>)
    %dma_wait3A_26 = arith.constant 1 : i32
    %dma_wait3A_27 = arith.constant 128 : i32
    %dma_wait3A_28 = arith.constant 0 : i32
    %dma_wait3A_29 = tpu.memref_slice %arg13[%dma_wait3A_27, %dma_wait3A_28] : memref<384x128xf32, #tpu.memory_space<vmem>> -> memref<128x128xf32, #tpu.memory_space<vmem>>
    %dma_wait3A_30 = arith.constant 0 : i32
    %dma_wait3A_31 = tpu.memref_slice %arg11[%dma_wait3A_26, %dma_wait3A_30] : memref<3x128xi32, #tpu.memory_space<vmem>> -> memref<1x128xi32, #tpu.memory_space<vmem>>
    %dma_wait3A_32 = tpu.memref_squeeze %dma_wait3A_31 : memref<1x128xi32, #tpu.memory_space<vmem>> -> memref<128xi32, #tpu.memory_space<vmem>>
    %dma_wait3A_33 = arith.constant 0 : i32
    %dma_wait3A_34 = arith.constant 0 : i32
    %dma_wait3A_35 = tpu.memref_slice %arg7[%dma_wait3A_33, %dma_wait3A_34] : memref<101x128xf32, #tpu.memory_space<vmem_shared>> -> memref<101x128xf32, #tpu.memory_space<vmem_shared>>
    tpu.wait_indirect_dma semaphore(%arg20 : memref<!tpu.dma_semaphore, #tpu.memory_space<semaphore_mem>>) src(%dma_wait3A_35 : memref<101x128xf32, #tpu.memory_space<vmem_shared>>) dst(%dma_wait3A_29 : memref<128x128xf32, #tpu.memory_space<vmem>>)
    %dma_wait3A_36 = arith.constant 2 : i32
    %dma_wait3A_37 = arith.constant 256 : i32
    %dma_wait3A_38 = arith.constant 0 : i32
    %dma_wait3A_39 = tpu.memref_slice %arg13[%dma_wait3A_37, %dma_wait3A_38] : memref<384x128xf32, #tpu.memory_space<vmem>> -> memref<128x128xf32, #tpu.memory_space<vmem>>
    %dma_wait3A_40 = arith.constant 0 : i32
    %dma_wait3A_41 = tpu.memref_slice %arg11[%dma_wait3A_36, %dma_wait3A_40] : memref<3x128xi32, #tpu.memory_space<vmem>> -> memref<1x128xi32, #tpu.memory_space<vmem>>
    %dma_wait3A_42 = tpu.memref_squeeze %dma_wait3A_41 : memref<1x128xi32, #tpu.memory_space<vmem>> -> memref<128xi32, #tpu.memory_space<vmem>>
    %dma_wait3A_43 = arith.constant 0 : i32
    %dma_wait3A_44 = arith.constant 0 : i32
    %dma_wait3A_45 = tpu.memref_slice %arg7[%dma_wait3A_43, %dma_wait3A_44] : memref<101x128xf32, #tpu.memory_space<vmem_shared>> -> memref<101x128xf32, #tpu.memory_space<vmem_shared>>
    tpu.wait_indirect_dma semaphore(%arg20 : memref<!tpu.dma_semaphore, #tpu.memory_space<semaphore_mem>>) src(%dma_wait3A_45 : memref<101x128xf32, #tpu.memory_space<vmem_shared>>) dst(%dma_wait3A_39 : memref<128x128xf32, #tpu.memory_space<vmem>>)
    %add3A_46 = arith.constant 1248 : i32
    %add3A_47 = arith.addi %add3A, %add3A_46 : i32
    %mul3A_48 = arith.constant 384 : i32
    %mul3A_49 = arith.muli %add3A_47, %mul3A_48 : i32
    %dma_start3A_50 = arith.constant 0 : i32
    %dma_start3A_51 = tpu.memref_slice %arg5[%mul3A_49, %dma_start3A_50] : memref<500000x128xf32, #tpu.memory_space<hbm>> -> memref<384x128xf32, #tpu.memory_space<hbm>>
    %dma_start3A_52 = arith.constant 0 : i32
    %dma_start3A_53 = tpu.memref_slice %arg5[%mul3A_49, %dma_start3A_52] : memref<500000x128xf32, #tpu.memory_space<hbm>> -> memref<384x128xf32, #tpu.memory_space<hbm>>
    tpu.enqueue_dma source(%arg13 : memref<384x128xf32, #tpu.memory_space<vmem>>) target(%dma_start3A_53 : memref<384x128xf32, #tpu.memory_space<hbm>>) target_semaphore(%arg22 : memref<!tpu.dma_semaphore, #tpu.memory_space<semaphore_mem>>)
    %add3A_54 = arith.constant 1216 : i32
    %add3A_55 = arith.addi %add3A, %add3A_54 : i32
    %mul3A_56 = arith.constant 384 : i32
    %mul3A_57 = arith.muli %add3A_55, %mul3A_56 : i32
    %dma_wait3A_58 = arith.constant 0 : i32
    %dma_wait3A_59 = tpu.memref_slice %arg5[%mul3A_57, %dma_wait3A_58] : memref<500000x128xf32, #tpu.memory_space<hbm>> -> memref<384x128xf32, #tpu.memory_space<hbm>>
    %dma_wait3A_60 = arith.constant 0 : i32
    %dma_wait3A_61 = tpu.memref_slice %arg5[%mul3A_57, %dma_wait3A_60] : memref<500000x128xf32, #tpu.memory_space<hbm>> -> memref<384x128xf32, #tpu.memory_space<hbm>>
    tpu.wait_dma2 semaphore(%arg21 : memref<!tpu.dma_semaphore, #tpu.memory_space<semaphore_mem>>) src(%arg12 : memref<384x128xf32, #tpu.memory_space<vmem>>) dst(%dma_wait3A_61 : memref<384x128xf32, #tpu.memory_space<hbm>>)
    %add3A_62 = arith.constant 1248 : i32
    %add3A_63 = arith.addi %add3A, %add3A_62 : i32
    %mul3A_64 = arith.constant 384 : i32
    %mul3A_65 = arith.muli %add3A_63, %mul3A_64 : i32
    %dma_wait3A_66 = arith.constant 0 : i32
    %dma_wait3A_67 = tpu.memref_slice %arg5[%mul3A_65, %dma_wait3A_66] : memref<500000x128xf32, #tpu.memory_space<hbm>> -> memref<384x128xf32, #tpu.memory_space<hbm>>
    %dma_wait3A_68 = arith.constant 0 : i32
    %dma_wait3A_69 = tpu.memref_slice %arg5[%mul3A_65, %dma_wait3A_68] : memref<500000x128xf32, #tpu.memory_space<hbm>> -> memref<384x128xf32, #tpu.memory_space<hbm>>
    tpu.wait_dma2 semaphore(%arg22 : memref<!tpu.dma_semaphore, #tpu.memory_space<semaphore_mem>>) src(%arg13 : memref<384x128xf32, #tpu.memory_space<vmem>>) dst(%dma_wait3A_69 : memref<384x128xf32, #tpu.memory_space<hbm>>)
    %lt3A = arith.constant 22 : i32
    %lt3A_70 = arith.cmpi slt, %add3A, %lt3A : i32
    %convert_element_type3A = arith.extui %lt3A_70 : i1 to i32
    %cond3A = arith.constant 0 : i32
    %cond3A_71 = arith.cmpi ne, %convert_element_type3A, %cond3A : i32
    scf.if %cond3A_71 {
      %add3A_76 = arith.constant 1280 : i32
      %add3A_77 = arith.addi %add3A, %add3A_76 : i32
      %mul3A_78 = arith.constant 384 : i32
      %mul3A_79 = arith.muli %add3A_77, %mul3A_78 : i32
      %dma_wait3A_80 = tpu.memref_slice %arg2[%mul3A_79] : memref<500000xf32, #tpu.memory_space<hbm>> -> memref<384xf32, #tpu.memory_space<hbm>>
      %dma_wait3A_81 = tpu.memref_slice %arg2[%mul3A_79] : memref<500000xf32, #tpu.memory_space<hbm>> -> memref<384xf32, #tpu.memory_space<hbm>>
      tpu.wait_dma2 semaphore(%arg17 : memref<!tpu.dma_semaphore, #tpu.memory_space<semaphore_mem>>) src(%dma_wait3A_81 : memref<384xf32, #tpu.memory_space<hbm>>) dst(%arg8 : memref<384xf32, #tpu.memory_space<vmem>>)
      %scan3A_82 = arith.constant 0 : i32
      %scan3A_83 = arith.constant 0 : i32
      %scan3A_84 = arith.constant 0 : i32
      %scan3A_85 = arith.constant 8 : i32
      %scan3A_86 = arith.addi %scan3A_84, %scan3A_85 : i32
      %scan3A_87 = arith.constant 1 : i32
      scf.for %scan3A_179 = %scan3A_84 to %scan3A_86 step %scan3A_87  : i32 {
        %mul3A_180 = arith.constant 16 : i32
        %mul3A_181 = arith.muli %scan3A_179, %mul3A_180 : i32
        %add3A_182 = arith.constant 0 : i32
        %add3A_183 = arith.addi %add3A_182, %mul3A_181 : i32
        %get3A = arith.index_cast %add3A_183 : i32 to index
        %get3A_184 = tpu.vector_load %arg8[%get3A] {strides = array<i32>} : memref<384xf32, #tpu.memory_space<vmem>>, vector<16xf32>,
        %broadcast_in_dim3A = arith.constant 0 : i32
        %broadcast_in_dim3A_185 = vector.broadcast %broadcast_in_dim3A : i32 to vector<16xi32>
        %add3A_186 = arith.constant 63 : i32
        %add3A_187 = vector.broadcast %add3A_186 : i32 to vector<16xi32>
        %add3A_188 = arith.addi %broadcast_in_dim3A_185, %add3A_187 : vector<16xi32>
        %gather3A = tpu.vector_load_idx %arg6[%add3A_188] : memref<128xf32, #tpu.memory_space<vmem>>[vector<16xi32>], vector<16xf32>,
        %lt3A_189 = arith.cmpf olt, %gather3A, %get3A_184 : vector<16xf32>
        %add3A_190 = arith.constant 64 : i32
        %add3A_191 = vector.broadcast %add3A_190 : i32 to vector<16xi32>
        %add3A_192 = arith.addi %broadcast_in_dim3A_185, %add3A_191 : vector<16xi32>
        %select_n3A = arith.select %lt3A_189, %add3A_192, %broadcast_in_dim3A_185 : vector<16xi1>, vector<16xi32>
        %add3A_193 = arith.constant 31 : i32
        %add3A_194 = vector.broadcast %add3A_193 : i32 to vector<16xi32>
        %add3A_195 = arith.addi %select_n3A, %add3A_194 : vector<16xi32>
        %gather3A_196 = tpu.vector_load_idx %arg6[%add3A_195] : memref<128xf32, #tpu.memory_space<vmem>>[vector<16xi32>], vector<16xf32>,
        %lt3A_197 = arith.cmpf olt, %gather3A_196, %get3A_184 : vector<16xf32>
        %add3A_198 = arith.constant 32 : i32
        %add3A_199 = vector.broadcast %add3A_198 : i32 to vector<16xi32>
        %add3A_200 = arith.addi %select_n3A, %add3A_199 : vector<16xi32>
        %select_n3A_201 = arith.select %lt3A_197, %add3A_200, %select_n3A : vector<16xi1>, vector<16xi32>
        %add3A_202 = arith.constant 15 : i32
        %add3A_203 = vector.broadcast %add3A_202 : i32 to vector<16xi32>
        %add3A_204 = arith.addi %select_n3A_201, %add3A_203 : vector<16xi32>
        %gather3A_205 = tpu.vector_load_idx %arg6[%add3A_204] : memref<128xf32, #tpu.memory_space<vmem>>[vector<16xi32>], vector<16xf32>,
        %lt3A_206 = arith.cmpf olt, %gather3A_205, %get3A_184 : vector<16xf32>
        %add3A_207 = arith.constant 16 : i32
        %add3A_208 = vector.broadcast %add3A_207 : i32 to vector<16xi32>
        %add3A_209 = arith.addi %select_n3A_201, %add3A_208 : vector<16xi32>
        %select_n3A_210 = arith.select %lt3A_206, %add3A_209, %select_n3A_201 : vector<16xi1>, vector<16xi32>
        %add3A_211 = arith.constant 7 : i32
        %add3A_212 = vector.broadcast %add3A_211 : i32 to vector<16xi32>
        %add3A_213 = arith.addi %select_n3A_210, %add3A_212 : vector<16xi32>
        %gather3A_214 = tpu.vector_load_idx %arg6[%add3A_213] : memref<128xf32, #tpu.memory_space<vmem>>[vector<16xi32>], vector<16xf32>,
        %lt3A_215 = arith.cmpf olt, %gather3A_214, %get3A_184 : vector<16xf32>
        %add3A_216 = arith.constant 8 : i32
        %add3A_217 = vector.broadcast %add3A_216 : i32 to vector<16xi32>
        %add3A_218 = arith.addi %select_n3A_210, %add3A_217 : vector<16xi32>
        %select_n3A_219 = arith.select %lt3A_215, %add3A_218, %select_n3A_210 : vector<16xi1>, vector<16xi32>
        %add3A_220 = arith.constant 3 : i32
        %add3A_221 = vector.broadcast %add3A_220 : i32 to vector<16xi32>
        %add3A_222 = arith.addi %select_n3A_219, %add3A_221 : vector<16xi32>
        %gather3A_223 = tpu.vector_load_idx %arg6[%add3A_222] : memref<128xf32, #tpu.memory_space<vmem>>[vector<16xi32>], vector<16xf32>,
        %lt3A_224 = arith.cmpf olt, %gather3A_223, %get3A_184 : vector<16xf32>
        %add3A_225 = arith.constant 4 : i32
        %add3A_226 = vector.broadcast %add3A_225 : i32 to vector<16xi32>
        %add3A_227 = arith.addi %select_n3A_219, %add3A_226 : vector<16xi32>
        %select_n3A_228 = arith.select %lt3A_224, %add3A_227, %select_n3A_219 : vector<16xi1>, vector<16xi32>
        %add3A_229 = arith.constant 1 : i32
        %add3A_230 = vector.broadcast %add3A_229 : i32 to vector<16xi32>
        %add3A_231 = arith.addi %select_n3A_228, %add3A_230 : vector<16xi32>
        %gather3A_232 = tpu.vector_load_idx %arg6[%add3A_231] : memref<128xf32, #tpu.memory_space<vmem>>[vector<16xi32>], vector<16xf32>,
        %lt3A_233 = arith.cmpf olt, %gather3A_232, %get3A_184 : vector<16xf32>
        %add3A_234 = arith.constant 2 : i32
        %add3A_235 = vector.broadcast %add3A_234 : i32 to vector<16xi32>
        %add3A_236 = arith.addi %select_n3A_228, %add3A_235 : vector<16xi32>
        %select_n3A_237 = arith.select %lt3A_233, %add3A_236, %select_n3A_228 : vector<16xi1>, vector<16xi32>
        %add3A_238 = arith.constant 0 : i32
        %add3A_239 = vector.broadcast %add3A_238 : i32 to vector<16xi32>
        %add3A_240 = arith.addi %select_n3A_237, %add3A_239 : vector<16xi32>
        %gather3A_241 = tpu.vector_load_idx %arg6[%add3A_240] : memref<128xf32, #tpu.memory_space<vmem>>[vector<16xi32>], vector<16xf32>,
        %lt3A_242 = arith.cmpf olt, %gather3A_241, %get3A_184 : vector<16xf32>
        %add3A_243 = arith.constant 1 : i32
        %add3A_244 = vector.broadcast %add3A_243 : i32 to vector<16xi32>
        %add3A_245 = arith.addi %select_n3A_237, %add3A_244 : vector<16xi32>
        %select_n3A_246 = arith.select %lt3A_242, %add3A_245, %select_n3A_237 : vector<16xi1>, vector<16xi32>
        %mul3A_247 = arith.constant 16 : i32
        %mul3A_248 = arith.muli %scan3A_179, %mul3A_247 : i32
        %swap3A = arith.constant 0 : i32
        %swap3A_249 = tpu.memref_slice %arg10[%scan3A_83, %swap3A] : memref<3x128xi32, #tpu.memory_space<vmem>> -> memref<1x128xi32, #tpu.memory_space<vmem>>
        %swap3A_250 = tpu.memref_squeeze %swap3A_249 : memref<1x128xi32, #tpu.memory_space<vmem>> -> memref<128xi32, #tpu.memory_space<vmem>>
        %swap3A_251 = arith.index_cast %mul3A_248 : i32 to index
        %swap3A_252 = tpu.vector_load %swap3A_250[%swap3A_251] {strides = array<i32>} : memref<128xi32, #tpu.memory_space<vmem>>, vector<16xi32>,
        tpu.vector_store %swap3A_250[%swap3A_251], %select_n3A_246 {strides = array<i32>} : memref<128xi32, #tpu.memory_space<vmem>>, vector<16xi32>,
      }
      %scan3A_88 = arith.constant 8 : i32
      %scan3A_89 = arith.constant 0 : i32
      %scan3A_90 = arith.constant 1 : i32
      %scan3A_91 = arith.constant 0 : i32
      %scan3A_92 = arith.constant 8 : i32
      %scan3A_93 = arith.addi %scan3A_91, %scan3A_92 : i32
      %scan3A_94 = arith.constant 1 : i32
      scf.for %scan3A_179 = %scan3A_91 to %scan3A_93 step %scan3A_94  : i32 {
        %mul3A_180 = arith.constant 16 : i32
        %mul3A_181 = arith.muli %scan3A_179, %mul3A_180 : i32
        %add3A_182 = arith.constant 128 : i32
        %add3A_183 = arith.addi %add3A_182, %mul3A_181 : i32
        %get3A = arith.index_cast %add3A_183 : i32 to index
        %get3A_184 = tpu.vector_load %arg8[%get3A] {strides = array<i32>} : memref<384xf32, #tpu.memory_space<vmem>>, vector<16xf32>,
        %broadcast_in_dim3A = arith.constant 0 : i32
        %broadcast_in_dim3A_185 = vector.broadcast %broadcast_in_dim3A : i32 to vector<16xi32>
        %add3A_186 = arith.constant 63 : i32
        %add3A_187 = vector.broadcast %add3A_186 : i32 to vector<16xi32>
        %add3A_188 = arith.addi %broadcast_in_dim3A_185, %add3A_187 : vector<16xi32>
        %gather3A = tpu.vector_load_idx %arg6[%add3A_188] : memref<128xf32, #tpu.memory_space<vmem>>[vector<16xi32>], vector<16xf32>,
        %lt3A_189 = arith.cmpf olt, %gather3A, %get3A_184 : vector<16xf32>
        %add3A_190 = arith.constant 64 : i32
        %add3A_191 = vector.broadcast %add3A_190 : i32 to vector<16xi32>
        %add3A_192 = arith.addi %broadcast_in_dim3A_185, %add3A_191 : vector<16xi32>
        %select_n3A = arith.select %lt3A_189, %add3A_192, %broadcast_in_dim3A_185 : vector<16xi1>, vector<16xi32>
        %add3A_193 = arith.constant 31 : i32
        %add3A_194 = vector.broadcast %add3A_193 : i32 to vector<16xi32>
        %add3A_195 = arith.addi %select_n3A, %add3A_194 : vector<16xi32>
        %gather3A_196 = tpu.vector_load_idx %arg6[%add3A_195] : memref<128xf32, #tpu.memory_space<vmem>>[vector<16xi32>], vector<16xf32>,
        %lt3A_197 = arith.cmpf olt, %gather3A_196, %get3A_184 : vector<16xf32>
        %add3A_198 = arith.constant 32 : i32
        %add3A_199 = vector.broadcast %add3A_198 : i32 to vector<16xi32>
        %add3A_200 = arith.addi %select_n3A, %add3A_199 : vector<16xi32>
        %select_n3A_201 = arith.select %lt3A_197, %add3A_200, %select_n3A : vector<16xi1>, vector<16xi32>
        %add3A_202 = arith.constant 15 : i32
        %add3A_203 = vector.broadcast %add3A_202 : i32 to vector<16xi32>
        %add3A_204 = arith.addi %select_n3A_201, %add3A_203 : vector<16xi32>
        %gather3A_205 = tpu.vector_load_idx %arg6[%add3A_204] : memref<128xf32, #tpu.memory_space<vmem>>[vector<16xi32>], vector<16xf32>,
        %lt3A_206 = arith.cmpf olt, %gather3A_205, %get3A_184 : vector<16xf32>
        %add3A_207 = arith.constant 16 : i32
        %add3A_208 = vector.broadcast %add3A_207 : i32 to vector<16xi32>
        %add3A_209 = arith.addi %select_n3A_201, %add3A_208 : vector<16xi32>
        %select_n3A_210 = arith.select %lt3A_206, %add3A_209, %select_n3A_201 : vector<16xi1>, vector<16xi32>
        %add3A_211 = arith.constant 7 : i32
        %add3A_212 = vector.broadcast %add3A_211 : i32 to vector<16xi32>
        %add3A_213 = arith.addi %select_n3A_210, %add3A_212 : vector<16xi32>
        %gather3A_214 = tpu.vector_load_idx %arg6[%add3A_213] : memref<128xf32, #tpu.memory_space<vmem>>[vector<16xi32>], vector<16xf32>,
        %lt3A_215 = arith.cmpf olt, %gather3A_214, %get3A_184 : vector<16xf32>
        %add3A_216 = arith.constant 8 : i32
        %add3A_217 = vector.broadcast %add3A_216 : i32 to vector<16xi32>
        %add3A_218 = arith.addi %select_n3A_210, %add3A_217 : vector<16xi32>
        %select_n3A_219 = arith.select %lt3A_215, %add3A_218, %select_n3A_210 : vector<16xi1>, vector<16xi32>
        %add3A_220 = arith.constant 3 : i32
        %add3A_221 = vector.broadcast %add3A_220 : i32 to vector<16xi32>
        %add3A_222 = arith.addi %select_n3A_219, %add3A_221 : vector<16xi32>
        %gather3A_223 = tpu.vector_load_idx %arg6[%add3A_222] : memref<128xf32, #tpu.memory_space<vmem>>[vector<16xi32>], vector<16xf32>,
        %lt3A_224 = arith.cmpf olt, %gather3A_223, %get3A_184 : vector<16xf32>
        %add3A_225 = arith.constant 4 : i32
        %add3A_226 = vector.broadcast %add3A_225 : i32 to vector<16xi32>
        %add3A_227 = arith.addi %select_n3A_219, %add3A_226 : vector<16xi32>
        %select_n3A_228 = arith.select %lt3A_224, %add3A_227, %select_n3A_219 : vector<16xi1>, vector<16xi32>
        %add3A_229 = arith.constant 1 : i32
        %add3A_230 = vector.broadcast %add3A_229 : i32 to vector<16xi32>
        %add3A_231 = arith.addi %select_n3A_228, %add3A_230 : vector<16xi32>
        %gather3A_232 = tpu.vector_load_idx %arg6[%add3A_231] : memref<128xf32, #tpu.memory_space<vmem>>[vector<16xi32>], vector<16xf32>,
        %lt3A_233 = arith.cmpf olt, %gather3A_232, %get3A_184 : vector<16xf32>
        %add3A_234 = arith.constant 2 : i32
        %add3A_235 = vector.broadcast %add3A_234 : i32 to vector<16xi32>
        %add3A_236 = arith.addi %select_n3A_228, %add3A_235 : vector<16xi32>
        %select_n3A_237 = arith.select %lt3A_233, %add3A_236, %select_n3A_228 : vector<16xi1>, vector<16xi32>
        %add3A_238 = arith.constant 0 : i32
        %add3A_239 = vector.broadcast %add3A_238 : i32 to vector<16xi32>
        %add3A_240 = arith.addi %select_n3A_237, %add3A_239 : vector<16xi32>
        %gather3A_241 = tpu.vector_load_idx %arg6[%add3A_240] : memref<128xf32, #tpu.memory_space<vmem>>[vector<16xi32>], vector<16xf32>,
        %lt3A_242 = arith.cmpf olt, %gather3A_241, %get3A_184 : vector<16xf32>
        %add3A_243 = arith.constant 1 : i32
        %add3A_244 = vector.broadcast %add3A_243 : i32 to vector<16xi32>
        %add3A_245 = arith.addi %select_n3A_237, %add3A_244 : vector<16xi32>
        %select_n3A_246 = arith.select %lt3A_242, %add3A_245, %select_n3A_237 : vector<16xi1>, vector<16xi32>
        %mul3A_247 = arith.constant 16 : i32
        %mul3A_248 = arith.muli %scan3A_179, %mul3A_247 : i32
        %swap3A = arith.constant 0 : i32
        %swap3A_249 = tpu.memref_slice %arg10[%scan3A_90, %swap3A] : memref<3x128xi32, #tpu.memory_space<vmem>> -> memref<1x128xi32, #tpu.memory_space<vmem>>
        %swap3A_250 = tpu.memref_squeeze %swap3A_249 : memref<1x128xi32, #tpu.memory_space<vmem>> -> memref<128xi32, #tpu.memory_space<vmem>>
        %swap3A_251 = arith.index_cast %mul3A_248 : i32 to index
        %swap3A_252 = tpu.vector_load %swap3A_250[%swap3A_251] {strides = array<i32>} : memref<128xi32, #tpu.memory_space<vmem>>, vector<16xi32>,
        tpu.vector_store %swap3A_250[%swap3A_251], %select_n3A_246 {strides = array<i32>} : memref<128xi32, #tpu.memory_space<vmem>>, vector<16xi32>,
      }
      %scan3A_95 = arith.constant 8 : i32
      %scan3A_96 = arith.constant 0 : i32
      %scan3A_97 = arith.constant 2 : i32
      %scan3A_98 = arith.constant 0 : i32
      %scan3A_99 = arith.constant 8 : i32
      %scan3A_100 = arith.addi %scan3A_98, %scan3A_99 : i32
      %scan3A_101 = arith.constant 1 : i32
      scf.for %scan3A_179 = %scan3A_98 to %scan3A_100 step %scan3A_101  : i32 {
        %mul3A_180 = arith.constant 16 : i32
        %mul3A_181 = arith.muli %scan3A_179, %mul3A_180 : i32
        %add3A_182 = arith.constant 256 : i32
        %add3A_183 = arith.addi %add3A_182, %mul3A_181 : i32
        %get3A = arith.index_cast %add3A_183 : i32 to index
        %get3A_184 = tpu.vector_load %arg8[%get3A] {strides = array<i32>} : memref<384xf32, #tpu.memory_space<vmem>>, vector<16xf32>,
        %broadcast_in_dim3A = arith.constant 0 : i32
        %broadcast_in_dim3A_185 = vector.broadcast %broadcast_in_dim3A : i32 to vector<16xi32>
        %add3A_186 = arith.constant 63 : i32
        %add3A_187 = vector.broadcast %add3A_186 : i32 to vector<16xi32>
        %add3A_188 = arith.addi %broadcast_in_dim3A_185, %add3A_187 : vector<16xi32>
        %gather3A = tpu.vector_load_idx %arg6[%add3A_188] : memref<128xf32, #tpu.memory_space<vmem>>[vector<16xi32>], vector<16xf32>,
        %lt3A_189 = arith.cmpf olt, %gather3A, %get3A_184 : vector<16xf32>
        %add3A_190 = arith.constant 64 : i32
        %add3A_191 = vector.broadcast %add3A_190 : i32 to vector<16xi32>
        %add3A_192 = arith.addi %broadcast_in_dim3A_185, %add3A_191 : vector<16xi32>
        %select_n3A = arith.select %lt3A_189, %add3A_192, %broadcast_in_dim3A_185 : vector<16xi1>, vector<16xi32>
        %add3A_193 = arith.constant 31 : i32
        %add3A_194 = vector.broadcast %add3A_193 : i32 to vector<16xi32>
        %add3A_195 = arith.addi %select_n3A, %add3A_194 : vector<16xi32>
        %gather3A_196 = tpu.vector_load_idx %arg6[%add3A_195] : memref<128xf32, #tpu.memory_space<vmem>>[vector<16xi32>], vector<16xf32>,
        %lt3A_197 = arith.cmpf olt, %gather3A_196, %get3A_184 : vector<16xf32>
        %add3A_198 = arith.constant 32 : i32
        %add3A_199 = vector.broadcast %add3A_198 : i32 to vector<16xi32>
        %add3A_200 = arith.addi %select_n3A, %add3A_199 : vector<16xi32>
        %select_n3A_201 = arith.select %lt3A_197, %add3A_200, %select_n3A : vector<16xi1>, vector<16xi32>
        %add3A_202 = arith.constant 15 : i32
        %add3A_203 = vector.broadcast %add3A_202 : i32 to vector<16xi32>
        %add3A_204 = arith.addi %select_n3A_201, %add3A_203 : vector<16xi32>
        %gather3A_205 = tpu.vector_load_idx %arg6[%add3A_204] : memref<128xf32, #tpu.memory_space<vmem>>[vector<16xi32>], vector<16xf32>,
        %lt3A_206 = arith.cmpf olt, %gather3A_205, %get3A_184 : vector<16xf32>
        %add3A_207 = arith.constant 16 : i32
        %add3A_208 = vector.broadcast %add3A_207 : i32 to vector<16xi32>
        %add3A_209 = arith.addi %select_n3A_201, %add3A_208 : vector<16xi32>
        %select_n3A_210 = arith.select %lt3A_206, %add3A_209, %select_n3A_201 : vector<16xi1>, vector<16xi32>
        %add3A_211 = arith.constant 7 : i32
        %add3A_212 = vector.broadcast %add3A_211 : i32 to vector<16xi32>
        %add3A_213 = arith.addi %select_n3A_210, %add3A_212 : vector<16xi32>
        %gather3A_214 = tpu.vector_load_idx %arg6[%add3A_213] : memref<128xf32, #tpu.memory_space<vmem>>[vector<16xi32>], vector<16xf32>,
        %lt3A_215 = arith.cmpf olt, %gather3A_214, %get3A_184 : vector<16xf32>
        %add3A_216 = arith.constant 8 : i32
        %add3A_217 = vector.broadcast %add3A_216 : i32 to vector<16xi32>
        %add3A_218 = arith.addi %select_n3A_210, %add3A_217 : vector<16xi32>
        %select_n3A_219 = arith.select %lt3A_215, %add3A_218, %select_n3A_210 : vector<16xi1>, vector<16xi32>
        %add3A_220 = arith.constant 3 : i32
        %add3A_221 = vector.broadcast %add3A_220 : i32 to vector<16xi32>
        %add3A_222 = arith.addi %select_n3A_219, %add3A_221 : vector<16xi32>
        %gather3A_223 = tpu.vector_load_idx %arg6[%add3A_222] : memref<128xf32, #tpu.memory_space<vmem>>[vector<16xi32>], vector<16xf32>,
        %lt3A_224 = arith.cmpf olt, %gather3A_223, %get3A_184 : vector<16xf32>
        %add3A_225 = arith.constant 4 : i32
        %add3A_226 = vector.broadcast %add3A_225 : i32 to vector<16xi32>
        %add3A_227 = arith.addi %select_n3A_219, %add3A_226 : vector<16xi32>
        %select_n3A_228 = arith.select %lt3A_224, %add3A_227, %select_n3A_219 : vector<16xi1>, vector<16xi32>
        %add3A_229 = arith.constant 1 : i32
        %add3A_230 = vector.broadcast %add3A_229 : i32 to vector<16xi32>
        %add3A_231 = arith.addi %select_n3A_228, %add3A_230 : vector<16xi32>
        %gather3A_232 = tpu.vector_load_idx %arg6[%add3A_231] : memref<128xf32, #tpu.memory_space<vmem>>[vector<16xi32>], vector<16xf32>,
        %lt3A_233 = arith.cmpf olt, %gather3A_232, %get3A_184 : vector<16xf32>
        %add3A_234 = arith.constant 2 : i32
        %add3A_235 = vector.broadcast %add3A_234 : i32 to vector<16xi32>
        %add3A_236 = arith.addi %select_n3A_228, %add3A_235 : vector<16xi32>
        %select_n3A_237 = arith.select %lt3A_233, %add3A_236, %select_n3A_228 : vector<16xi1>, vector<16xi32>
        %add3A_238 = arith.constant 0 : i32
        %add3A_239 = vector.broadcast %add3A_238 : i32 to vector<16xi32>
        %add3A_240 = arith.addi %select_n3A_237, %add3A_239 : vector<16xi32>
        %gather3A_241 = tpu.vector_load_idx %arg6[%add3A_240] : memref<128xf32, #tpu.memory_space<vmem>>[vector<16xi32>], vector<16xf32>,
        %lt3A_242 = arith.cmpf olt, %gather3A_241, %get3A_184 : vector<16xf32>
        %add3A_243 = arith.constant 1 : i32
        %add3A_244 = vector.broadcast %add3A_243 : i32 to vector<16xi32>
        %add3A_245 = arith.addi %select_n3A_237, %add3A_244 : vector<16xi32>
        %select_n3A_246 = arith.select %lt3A_242, %add3A_245, %select_n3A_237 : vector<16xi1>, vector<16xi32>
        %mul3A_247 = arith.constant 16 : i32
        %mul3A_248 = arith.muli %scan3A_179, %mul3A_247 : i32
        %swap3A = arith.constant 0 : i32
        %swap3A_249 = tpu.memref_slice %arg10[%scan3A_97, %swap3A] : memref<3x128xi32, #tpu.memory_space<vmem>> -> memref<1x128xi32, #tpu.memory_space<vmem>>
        %swap3A_250 = tpu.memref_squeeze %swap3A_249 : memref<1x128xi32, #tpu.memory_space<vmem>> -> memref<128xi32, #tpu.memory_space<vmem>>
        %swap3A_251 = arith.index_cast %mul3A_248 : i32 to index
        %swap3A_252 = tpu.vector_load %swap3A_250[%swap3A_251] {strides = array<i32>} : memref<128xi32, #tpu.memory_space<vmem>>, vector<16xi32>,
        tpu.vector_store %swap3A_250[%swap3A_251], %select_n3A_246 {strides = array<i32>} : memref<128xi32, #tpu.memory_space<vmem>>, vector<16xi32>,
      }
      %scan3A_102 = arith.constant 8 : i32
      %dma_start3A_103 = arith.constant 0 : i32
      %dma_start3A_104 = arith.constant 0 : i32
      %dma_start3A_105 = arith.constant 0 : i32
      %dma_start3A_106 = tpu.memref_slice %arg12[%dma_start3A_104, %dma_start3A_105] : memref<384x128xf32, #tpu.memory_space<vmem>> -> memref<128x128xf32, #tpu.memory_space<vmem>>
      %dma_start3A_107 = arith.constant 0 : i32
      %dma_start3A_108 = tpu.memref_slice %arg10[%dma_start3A_103, %dma_start3A_107] : memref<3x128xi32, #tpu.memory_space<vmem>> -> memref<1x128xi32, #tpu.memory_space<vmem>>
      %dma_start3A_109 = tpu.memref_squeeze %dma_start3A_108 : memref<1x128xi32, #tpu.memory_space<vmem>> -> memref<128xi32, #tpu.memory_space<vmem>>
      %dma_start3A_110 = arith.constant 0 : i32
      %dma_start3A_111 = arith.constant 0 : i32
      %dma_start3A_112 = tpu.memref_slice %arg7[%dma_start3A_110, %dma_start3A_111] : memref<101x128xf32, #tpu.memory_space<vmem_shared>> -> memref<101x128xf32, #tpu.memory_space<vmem_shared>>
      tpu.enqueue_indirect_dma source(%dma_start3A_112 : memref<101x128xf32, #tpu.memory_space<vmem_shared>>) target(%dma_start3A_106 : memref<128x128xf32, #tpu.memory_space<vmem>>) offsets(%dma_start3A_109 : memref<128xi32, #tpu.memory_space<vmem>>) semaphore(%arg19 : memref<!tpu.dma_semaphore, #tpu.memory_space<semaphore_mem>>)
      %dma_start3A_113 = arith.constant 1 : i32
      %dma_start3A_114 = arith.constant 128 : i32
      %dma_start3A_115 = arith.constant 0 : i32
      %dma_start3A_116 = tpu.memref_slice %arg12[%dma_start3A_114, %dma_start3A_115] : memref<384x128xf32, #tpu.memory_space<vmem>> -> memref<128x128xf32, #tpu.memory_space<vmem>>
      %dma_start3A_117 = arith.constant 0 : i32
      %dma_start3A_118 = tpu.memref_slice %arg10[%dma_start3A_113, %dma_start3A_117] : memref<3x128xi32, #tpu.memory_space<vmem>> -> memref<1x128xi32, #tpu.memory_space<vmem>>
      %dma_start3A_119 = tpu.memref_squeeze %dma_start3A_118 : memref<1x128xi32, #tpu.memory_space<vmem>> -> memref<128xi32, #tpu.memory_space<vmem>>
      %dma_start3A_120 = arith.constant 0 : i32
      %dma_start3A_121 = arith.constant 0 : i32
      %dma_start3A_122 = tpu.memref_slice %arg7[%dma_start3A_120, %dma_start3A_121] : memref<101x128xf32, #tpu.memory_space<vmem_shared>> -> memref<101x128xf32, #tpu.memory_space<vmem_shared>>
      tpu.enqueue_indirect_dma source(%dma_start3A_122 : memref<101x128xf32, #tpu.memory_space<vmem_shared>>) target(%dma_start3A_116 : memref<128x128xf32, #tpu.memory_space<vmem>>) offsets(%dma_start3A_119 : memref<128xi32, #tpu.memory_space<vmem>>) semaphore(%arg19 : memref<!tpu.dma_semaphore, #tpu.memory_space<semaphore_mem>>)
      %dma_start3A_123 = arith.constant 2 : i32
      %dma_start3A_124 = arith.constant 256 : i32
      %dma_start3A_125 = arith.constant 0 : i32
      %dma_start3A_126 = tpu.memref_slice %arg12[%dma_start3A_124, %dma_start3A_125] : memref<384x128xf32, #tpu.memory_space<vmem>> -> memref<128x128xf32, #tpu.memory_space<vmem>>
      %dma_start3A_127 = arith.constant 0 : i32
      %dma_start3A_128 = tpu.memref_slice %arg10[%dma_start3A_123, %dma_start3A_127] : memref<3x128xi32, #tpu.memory_space<vmem>> -> memref<1x128xi32, #tpu.memory_space<vmem>>
      %dma_start3A_129 = tpu.memref_squeeze %dma_start3A_128 : memref<1x128xi32, #tpu.memory_space<vmem>> -> memref<128xi32, #tpu.memory_space<vmem>>
      %dma_start3A_130 = arith.constant 0 : i32
      %dma_start3A_131 = arith.constant 0 : i32
      %dma_start3A_132 = tpu.memref_slice %arg7[%dma_start3A_130, %dma_start3A_131] : memref<101x128xf32, #tpu.memory_space<vmem_shared>> -> memref<101x128xf32, #tpu.memory_space<vmem_shared>>
      tpu.enqueue_indirect_dma source(%dma_start3A_132 : memref<101x128xf32, #tpu.memory_space<vmem_shared>>) target(%dma_start3A_126 : memref<128x128xf32, #tpu.memory_space<vmem>>) offsets(%dma_start3A_129 : memref<128xi32, #tpu.memory_space<vmem>>) semaphore(%arg19 : memref<!tpu.dma_semaphore, #tpu.memory_space<semaphore_mem>>)
      %dma_wait3A_133 = arith.constant 0 : i32
      %dma_wait3A_134 = arith.constant 0 : i32
      %dma_wait3A_135 = arith.constant 0 : i32
      %dma_wait3A_136 = tpu.memref_slice %arg12[%dma_wait3A_134, %dma_wait3A_135] : memref<384x128xf32, #tpu.memory_space<vmem>> -> memref<128x128xf32, #tpu.memory_space<vmem>>
      %dma_wait3A_137 = arith.constant 0 : i32
      %dma_wait3A_138 = tpu.memref_slice %arg10[%dma_wait3A_133, %dma_wait3A_137] : memref<3x128xi32, #tpu.memory_space<vmem>> -> memref<1x128xi32, #tpu.memory_space<vmem>>
      %dma_wait3A_139 = tpu.memref_squeeze %dma_wait3A_138 : memref<1x128xi32, #tpu.memory_space<vmem>> -> memref<128xi32, #tpu.memory_space<vmem>>
      %dma_wait3A_140 = arith.constant 0 : i32
      %dma_wait3A_141 = arith.constant 0 : i32
      %dma_wait3A_142 = tpu.memref_slice %arg7[%dma_wait3A_140, %dma_wait3A_141] : memref<101x128xf32, #tpu.memory_space<vmem_shared>> -> memref<101x128xf32, #tpu.memory_space<vmem_shared>>
      tpu.wait_indirect_dma semaphore(%arg19 : memref<!tpu.dma_semaphore, #tpu.memory_space<semaphore_mem>>) src(%dma_wait3A_142 : memref<101x128xf32, #tpu.memory_space<vmem_shared>>) dst(%dma_wait3A_136 : memref<128x128xf32, #tpu.memory_space<vmem>>)
      %dma_wait3A_143 = arith.constant 1 : i32
      %dma_wait3A_144 = arith.constant 128 : i32
      %dma_wait3A_145 = arith.constant 0 : i32
      %dma_wait3A_146 = tpu.memref_slice %arg12[%dma_wait3A_144, %dma_wait3A_145] : memref<384x128xf32, #tpu.memory_space<vmem>> -> memref<128x128xf32, #tpu.memory_space<vmem>>
      %dma_wait3A_147 = arith.constant 0 : i32
      %dma_wait3A_148 = tpu.memref_slice %arg10[%dma_wait3A_143, %dma_wait3A_147] : memref<3x128xi32, #tpu.memory_space<vmem>> -> memref<1x128xi32, #tpu.memory_space<vmem>>
      %dma_wait3A_149 = tpu.memref_squeeze %dma_wait3A_148 : memref<1x128xi32, #tpu.memory_space<vmem>> -> memref<128xi32, #tpu.memory_space<vmem>>
      %dma_wait3A_150 = arith.constant 0 : i32
      %dma_wait3A_151 = arith.constant 0 : i32
      %dma_wait3A_152 = tpu.memref_slice %arg7[%dma_wait3A_150, %dma_wait3A_151] : memref<101x128xf32, #tpu.memory_space<vmem_shared>> -> memref<101x128xf32, #tpu.memory_space<vmem_shared>>
      tpu.wait_indirect_dma semaphore(%arg19 : memref<!tpu.dma_semaphore, #tpu.memory_space<semaphore_mem>>) src(%dma_wait3A_152 : memref<101x128xf32, #tpu.memory_space<vmem_shared>>) dst(%dma_wait3A_146 : memref<128x128xf32, #tpu.memory_space<vmem>>)
      %dma_wait3A_153 = arith.constant 2 : i32
      %dma_wait3A_154 = arith.constant 256 : i32
      %dma_wait3A_155 = arith.constant 0 : i32
      %dma_wait3A_156 = tpu.memref_slice %arg12[%dma_wait3A_154, %dma_wait3A_155] : memref<384x128xf32, #tpu.memory_space<vmem>> -> memref<128x128xf32, #tpu.memory_space<vmem>>
      %dma_wait3A_157 = arith.constant 0 : i32
      %dma_wait3A_158 = tpu.memref_slice %arg10[%dma_wait3A_153, %dma_wait3A_157] : memref<3x128xi32, #tpu.memory_space<vmem>> -> memref<1x128xi32, #tpu.memory_space<vmem>>
      %dma_wait3A_159 = tpu.memref_squeeze %dma_wait3A_158 : memref<1x128xi32, #tpu.memory_space<vmem>> -> memref<128xi32, #tpu.memory_space<vmem>>
      %dma_wait3A_160 = arith.constant 0 : i32
      %dma_wait3A_161 = arith.constant 0 : i32
      %dma_wait3A_162 = tpu.memref_slice %arg7[%dma_wait3A_160, %dma_wait3A_161] : memref<101x128xf32, #tpu.memory_space<vmem_shared>> -> memref<101x128xf32, #tpu.memory_space<vmem_shared>>
      tpu.wait_indirect_dma semaphore(%arg19 : memref<!tpu.dma_semaphore, #tpu.memory_space<semaphore_mem>>) src(%dma_wait3A_162 : memref<101x128xf32, #tpu.memory_space<vmem_shared>>) dst(%dma_wait3A_156 : memref<128x128xf32, #tpu.memory_space<vmem>>)
      %add3A_163 = arith.constant 1280 : i32
      %add3A_164 = arith.addi %add3A, %add3A_163 : i32
      %mul3A_165 = arith.constant 384 : i32
      %mul3A_166 = arith.muli %add3A_164, %mul3A_165 : i32
      %dma_start3A_167 = arith.constant 0 : i32
      %dma_start3A_168 = tpu.memref_slice %arg5[%mul3A_166, %dma_start3A_167] : memref<500000x128xf32, #tpu.memory_space<hbm>> -> memref<384x128xf32, #tpu.memory_space<hbm>>
      %dma_start3A_169 = arith.constant 0 : i32
      %dma_start3A_170 = tpu.memref_slice %arg5[%mul3A_166, %dma_start3A_169] : memref<500000x128xf32, #tpu.memory_space<hbm>> -> memref<384x128xf32, #tpu.memory_space<hbm>>
      tpu.enqueue_dma source(%arg12 : memref<384x128xf32, #tpu.memory_space<vmem>>) target(%dma_start3A_170 : memref<384x128xf32, #tpu.memory_space<hbm>>) target_semaphore(%arg21 : memref<!tpu.dma_semaphore, #tpu.memory_space<semaphore_mem>>)
      %add3A_171 = arith.constant 1280 : i32
      %add3A_172 = arith.addi %add3A, %add3A_171 : i32
      %mul3A_173 = arith.constant 384 : i32
      %mul3A_174 = arith.muli %add3A_172, %mul3A_173 : i32
      %dma_wait3A_175 = arith.constant 0 : i32
      %dma_wait3A_176 = tpu.memref_slice %arg5[%mul3A_174, %dma_wait3A_175] : memref<500000x128xf32, #tpu.memory_space<hbm>> -> memref<384x128xf32, #tpu.memory_space<hbm>>
      %dma_wait3A_177 = arith.constant 0 : i32
      %dma_wait3A_178 = tpu.memref_slice %arg5[%mul3A_174, %dma_wait3A_177] : memref<500000x128xf32, #tpu.memory_space<hbm>> -> memref<384x128xf32, #tpu.memory_space<hbm>>
      tpu.wait_dma2 semaphore(%arg21 : memref<!tpu.dma_semaphore, #tpu.memory_space<semaphore_mem>>) src(%arg12 : memref<384x128xf32, #tpu.memory_space<vmem>>) dst(%dma_wait3A_178 : memref<384x128xf32, #tpu.memory_space<hbm>>)
    } else {
    }
    %eq3A = arith.constant 31 : i32
    %eq3A_72 = arith.cmpi eq, %add3A, %eq3A : i32
    %convert_element_type3A_73 = arith.extui %eq3A_72 : i1 to i32
    %cond3A_74 = arith.constant 0 : i32
    %cond3A_75 = arith.cmpi ne, %convert_element_type3A_73, %cond3A_74 : i32
    scf.if %cond3A_75 {
      "tpu.region"() ({
        %run_scoped3A = tpu.sem_alloc : memref<!tpu.dma_semaphore, #tpu.memory_space<semaphore_mem>>
        %dma_start3A_215 = arith.constant 499968 : i32
        %dma_start3A_216 = tpu.memref_slice %arg2[%dma_start3A_215] : memref<500000xf32, #tpu.memory_space<hbm>> -> memref<32xf32, #tpu.memory_space<hbm>>
        %dma_start3A_217 = arith.constant 499968 : i32
        %dma_start3A_218 = tpu.memref_slice %arg2[%dma_start3A_217] : memref<500000xf32, #tpu.memory_space<hbm>> -> memref<32xf32, #tpu.memory_space<hbm>>
        tpu.enqueue_dma source(%dma_start3A_218 : memref<32xf32, #tpu.memory_space<hbm>>) target(%arg14 : memref<32xf32, #tpu.memory_space<vmem>>) target_semaphore(%run_scoped3A : memref<!tpu.dma_semaphore, #tpu.memory_space<semaphore_mem>>)
        %dma_wait3A_219 = arith.constant 499968 : i32
        %dma_wait3A_220 = tpu.memref_slice %arg2[%dma_wait3A_219] : memref<500000xf32, #tpu.memory_space<hbm>> -> memref<32xf32, #tpu.memory_space<hbm>>
        %dma_wait3A_221 = arith.constant 499968 : i32
        %dma_wait3A_222 = tpu.memref_slice %arg2[%dma_wait3A_221] : memref<500000xf32, #tpu.memory_space<hbm>> -> memref<32xf32, #tpu.memory_space<hbm>>
        tpu.wait_dma2 semaphore(%run_scoped3A : memref<!tpu.dma_semaphore, #tpu.memory_space<semaphore_mem>>) src(%dma_wait3A_222 : memref<32xf32, #tpu.memory_space<hbm>>) dst(%arg14 : memref<32xf32, #tpu.memory_space<vmem>>)
        tpu.yield
      }) : () -> ()
      %get3A = arith.constant 0 : index
      %get3A_76 = tpu.vector_load %arg14[%get3A] {strides = array<i32>} : memref<32xf32, #tpu.memory_space<vmem>>, vector<16xf32>,
      %broadcast_in_dim3A = arith.constant 0 : i32
      %broadcast_in_dim3A_77 = vector.broadcast %broadcast_in_dim3A : i32 to vector<16xi32>
      %add3A_78 = arith.constant 63 : i32
      %add3A_79 = vector.broadcast %add3A_78 : i32 to vector<16xi32>
      %add3A_80 = arith.addi %broadcast_in_dim3A_77, %add3A_79 : vector<16xi32>
      %gather3A = tpu.vector_load_idx %arg6[%add3A_80] : memref<128xf32, #tpu.memory_space<vmem>>[vector<16xi32>], vector<16xf32>,
      %lt3A_81 = arith.cmpf olt, %gather3A, %get3A_76 : vector<16xf32>
      %add3A_82 = arith.constant 64 : i32
      %add3A_83 = vector.broadcast %add3A_82 : i32 to vector<16xi32>
      %add3A_84 = arith.addi %broadcast_in_dim3A_77, %add3A_83 : vector<16xi32>
      %select_n3A = arith.select %lt3A_81, %add3A_84, %broadcast_in_dim3A_77 : vector<16xi1>, vector<16xi32>
      %add3A_85 = arith.constant 31 : i32
      %add3A_86 = vector.broadcast %add3A_85 : i32 to vector<16xi32>
      %add3A_87 = arith.addi %select_n3A, %add3A_86 : vector<16xi32>
      %gather3A_88 = tpu.vector_load_idx %arg6[%add3A_87] : memref<128xf32, #tpu.memory_space<vmem>>[vector<16xi32>], vector<16xf32>,
      %lt3A_89 = arith.cmpf olt, %gather3A_88, %get3A_76 : vector<16xf32>
      %add3A_90 = arith.constant 32 : i32
      %add3A_91 = vector.broadcast %add3A_90 : i32 to vector<16xi32>
      %add3A_92 = arith.addi %select_n3A, %add3A_91 : vector<16xi32>
      %select_n3A_93 = arith.select %lt3A_89, %add3A_92, %select_n3A : vector<16xi1>, vector<16xi32>
      %add3A_94 = arith.constant 15 : i32
      %add3A_95 = vector.broadcast %add3A_94 : i32 to vector<16xi32>
      %add3A_96 = arith.addi %select_n3A_93, %add3A_95 : vector<16xi32>
      %gather3A_97 = tpu.vector_load_idx %arg6[%add3A_96] : memref<128xf32, #tpu.memory_space<vmem>>[vector<16xi32>], vector<16xf32>,
      %lt3A_98 = arith.cmpf olt, %gather3A_97, %get3A_76 : vector<16xf32>
      %add3A_99 = arith.constant 16 : i32
      %add3A_100 = vector.broadcast %add3A_99 : i32 to vector<16xi32>
      %add3A_101 = arith.addi %select_n3A_93, %add3A_100 : vector<16xi32>
      %select_n3A_102 = arith.select %lt3A_98, %add3A_101, %select_n3A_93 : vector<16xi1>, vector<16xi32>
      %add3A_103 = arith.constant 7 : i32
      %add3A_104 = vector.broadcast %add3A_103 : i32 to vector<16xi32>
      %add3A_105 = arith.addi %select_n3A_102, %add3A_104 : vector<16xi32>
      %gather3A_106 = tpu.vector_load_idx %arg6[%add3A_105] : memref<128xf32, #tpu.memory_space<vmem>>[vector<16xi32>], vector<16xf32>,
      %lt3A_107 = arith.cmpf olt, %gather3A_106, %get3A_76 : vector<16xf32>
      %add3A_108 = arith.constant 8 : i32
      %add3A_109 = vector.broadcast %add3A_108 : i32 to vector<16xi32>
      %add3A_110 = arith.addi %select_n3A_102, %add3A_109 : vector<16xi32>
      %select_n3A_111 = arith.select %lt3A_107, %add3A_110, %select_n3A_102 : vector<16xi1>, vector<16xi32>
      %add3A_112 = arith.constant 3 : i32
      %add3A_113 = vector.broadcast %add3A_112 : i32 to vector<16xi32>
      %add3A_114 = arith.addi %select_n3A_111, %add3A_113 : vector<16xi32>
      %gather3A_115 = tpu.vector_load_idx %arg6[%add3A_114] : memref<128xf32, #tpu.memory_space<vmem>>[vector<16xi32>], vector<16xf32>,
      %lt3A_116 = arith.cmpf olt, %gather3A_115, %get3A_76 : vector<16xf32>
      %add3A_117 = arith.constant 4 : i32
      %add3A_118 = vector.broadcast %add3A_117 : i32 to vector<16xi32>
      %add3A_119 = arith.addi %select_n3A_111, %add3A_118 : vector<16xi32>
      %select_n3A_120 = arith.select %lt3A_116, %add3A_119, %select_n3A_111 : vector<16xi1>, vector<16xi32>
      %add3A_121 = arith.constant 1 : i32
      %add3A_122 = vector.broadcast %add3A_121 : i32 to vector<16xi32>
      %add3A_123 = arith.addi %select_n3A_120, %add3A_122 : vector<16xi32>
      %gather3A_124 = tpu.vector_load_idx %arg6[%add3A_123] : memref<128xf32, #tpu.memory_space<vmem>>[vector<16xi32>], vector<16xf32>,
      %lt3A_125 = arith.cmpf olt, %gather3A_124, %get3A_76 : vector<16xf32>
      %add3A_126 = arith.constant 2 : i32
      %add3A_127 = vector.broadcast %add3A_126 : i32 to vector<16xi32>
      %add3A_128 = arith.addi %select_n3A_120, %add3A_127 : vector<16xi32>
      %select_n3A_129 = arith.select %lt3A_125, %add3A_128, %select_n3A_120 : vector<16xi1>, vector<16xi32>
      %add3A_130 = arith.constant 0 : i32
      %add3A_131 = vector.broadcast %add3A_130 : i32 to vector<16xi32>
      %add3A_132 = arith.addi %select_n3A_129, %add3A_131 : vector<16xi32>
      %gather3A_133 = tpu.vector_load_idx %arg6[%add3A_132] : memref<128xf32, #tpu.memory_space<vmem>>[vector<16xi32>], vector<16xf32>,
      %lt3A_134 = arith.cmpf olt, %gather3A_133, %get3A_76 : vector<16xf32>
      %add3A_135 = arith.constant 1 : i32
      %add3A_136 = vector.broadcast %add3A_135 : i32 to vector<16xi32>
      %add3A_137 = arith.addi %select_n3A_129, %add3A_136 : vector<16xi32>
      %select_n3A_138 = arith.select %lt3A_134, %add3A_137, %select_n3A_129 : vector<16xi1>, vector<16xi32>
      %swap3A = arith.constant 0 : index
      %swap3A_139 = tpu.vector_load %arg15[%swap3A] {strides = array<i32>} : memref<32xi32, #tpu.memory_space<vmem>>, vector<16xi32>,
      tpu.vector_store %arg15[%swap3A], %select_n3A_138 {strides = array<i32>} : memref<32xi32, #tpu.memory_space<vmem>>, vector<16xi32>,
      %get3A_140 = arith.constant 16 : index
      %get3A_141 = tpu.vector_load %arg14[%get3A_140] {strides = array<i32>} : memref<32xf32, #tpu.memory_space<vmem>>, vector<16xf32>,
      %broadcast_in_dim3A_142 = arith.constant 0 : i32
      %broadcast_in_dim3A_143 = vector.broadcast %broadcast_in_dim3A_142 : i32 to vector<16xi32>
      %add3A_144 = arith.constant 63 : i32
      %add3A_145 = vector.broadcast %add3A_144 : i32 to vector<16xi32>
      %add3A_146 = arith.addi %broadcast_in_dim3A_143, %add3A_145 : vector<16xi32>
      %gather3A_147 = tpu.vector_load_idx %arg6[%add3A_146] : memref<128xf32, #tpu.memory_space<vmem>>[vector<16xi32>], vector<16xf32>,
      %lt3A_148 = arith.cmpf olt, %gather3A_147, %get3A_141 : vector<16xf32>
      %add3A_149 = arith.constant 64 : i32
      %add3A_150 = vector.broadcast %add3A_149 : i32 to vector<16xi32>
      %add3A_151 = arith.addi %broadcast_in_dim3A_143, %add3A_150 : vector<16xi32>
      %select_n3A_152 = arith.select %lt3A_148, %add3A_151, %broadcast_in_dim3A_143 : vector<16xi1>, vector<16xi32>
      %add3A_153 = arith.constant 31 : i32
      %add3A_154 = vector.broadcast %add3A_153 : i32 to vector<16xi32>
      %add3A_155 = arith.addi %select_n3A_152, %add3A_154 : vector<16xi32>
      %gather3A_156 = tpu.vector_load_idx %arg6[%add3A_155] : memref<128xf32, #tpu.memory_space<vmem>>[vector<16xi32>], vector<16xf32>,
      %lt3A_157 = arith.cmpf olt, %gather3A_156, %get3A_141 : vector<16xf32>
      %add3A_158 = arith.constant 32 : i32
      %add3A_159 = vector.broadcast %add3A_158 : i32 to vector<16xi32>
      %add3A_160 = arith.addi %select_n3A_152, %add3A_159 : vector<16xi32>
      %select_n3A_161 = arith.select %lt3A_157, %add3A_160, %select_n3A_152 : vector<16xi1>, vector<16xi32>
      %add3A_162 = arith.constant 15 : i32
      %add3A_163 = vector.broadcast %add3A_162 : i32 to vector<16xi32>
      %add3A_164 = arith.addi %select_n3A_161, %add3A_163 : vector<16xi32>
      %gather3A_165 = tpu.vector_load_idx %arg6[%add3A_164] : memref<128xf32, #tpu.memory_space<vmem>>[vector<16xi32>], vector<16xf32>,
      %lt3A_166 = arith.cmpf olt, %gather3A_165, %get3A_141 : vector<16xf32>
      %add3A_167 = arith.constant 16 : i32
      %add3A_168 = vector.broadcast %add3A_167 : i32 to vector<16xi32>
      %add3A_169 = arith.addi %select_n3A_161, %add3A_168 : vector<16xi32>
      %select_n3A_170 = arith.select %lt3A_166, %add3A_169, %select_n3A_161 : vector<16xi1>, vector<16xi32>
      %add3A_171 = arith.constant 7 : i32
      %add3A_172 = vector.broadcast %add3A_171 : i32 to vector<16xi32>
      %add3A_173 = arith.addi %select_n3A_170, %add3A_172 : vector<16xi32>
      %gather3A_174 = tpu.vector_load_idx %arg6[%add3A_173] : memref<128xf32, #tpu.memory_space<vmem>>[vector<16xi32>], vector<16xf32>,
      %lt3A_175 = arith.cmpf olt, %gather3A_174, %get3A_141 : vector<16xf32>
      %add3A_176 = arith.constant 8 : i32
      %add3A_177 = vector.broadcast %add3A_176 : i32 to vector<16xi32>
      %add3A_178 = arith.addi %select_n3A_170, %add3A_177 : vector<16xi32>
      %select_n3A_179 = arith.select %lt3A_175, %add3A_178, %select_n3A_170 : vector<16xi1>, vector<16xi32>
      %add3A_180 = arith.constant 3 : i32
      %add3A_181 = vector.broadcast %add3A_180 : i32 to vector<16xi32>
      %add3A_182 = arith.addi %select_n3A_179, %add3A_181 : vector<16xi32>
      %gather3A_183 = tpu.vector_load_idx %arg6[%add3A_182] : memref<128xf32, #tpu.memory_space<vmem>>[vector<16xi32>], vector<16xf32>,
      %lt3A_184 = arith.cmpf olt, %gather3A_183, %get3A_141 : vector<16xf32>
      %add3A_185 = arith.constant 4 : i32
      %add3A_186 = vector.broadcast %add3A_185 : i32 to vector<16xi32>
      %add3A_187 = arith.addi %select_n3A_179, %add3A_186 : vector<16xi32>
      %select_n3A_188 = arith.select %lt3A_184, %add3A_187, %select_n3A_179 : vector<16xi1>, vector<16xi32>
      %add3A_189 = arith.constant 1 : i32
      %add3A_190 = vector.broadcast %add3A_189 : i32 to vector<16xi32>
      %add3A_191 = arith.addi %select_n3A_188, %add3A_190 : vector<16xi32>
      %gather3A_192 = tpu.vector_load_idx %arg6[%add3A_191] : memref<128xf32, #tpu.memory_space<vmem>>[vector<16xi32>], vector<16xf32>,
      %lt3A_193 = arith.cmpf olt, %gather3A_192, %get3A_141 : vector<16xf32>
      %add3A_194 = arith.constant 2 : i32
      %add3A_195 = vector.broadcast %add3A_194 : i32 to vector<16xi32>
      %add3A_196 = arith.addi %select_n3A_188, %add3A_195 : vector<16xi32>
      %select_n3A_197 = arith.select %lt3A_193, %add3A_196, %select_n3A_188 : vector<16xi1>, vector<16xi32>
      %add3A_198 = arith.constant 0 : i32
      %add3A_199 = vector.broadcast %add3A_198 : i32 to vector<16xi32>
      %add3A_200 = arith.addi %select_n3A_197, %add3A_199 : vector<16xi32>
      %gather3A_201 = tpu.vector_load_idx %arg6[%add3A_200] : memref<128xf32, #tpu.memory_space<vmem>>[vector<16xi32>], vector<16xf32>,
      %lt3A_202 = arith.cmpf olt, %gather3A_201, %get3A_141 : vector<16xf32>
      %add3A_203 = arith.constant 1 : i32
      %add3A_204 = vector.broadcast %add3A_203 : i32 to vector<16xi32>
      %add3A_205 = arith.addi %select_n3A_197, %add3A_204 : vector<16xi32>
      %select_n3A_206 = arith.select %lt3A_202, %add3A_205, %select_n3A_197 : vector<16xi1>, vector<16xi32>
      %swap3A_207 = arith.constant 16 : index
      %swap3A_208 = tpu.vector_load %arg15[%swap3A_207] {strides = array<i32>} : memref<32xi32, #tpu.memory_space<vmem>>, vector<16xi32>,
      tpu.vector_store %arg15[%swap3A_207], %select_n3A_206 {strides = array<i32>} : memref<32xi32, #tpu.memory_space<vmem>>, vector<16xi32>,
      %dma_start3A_209 = arith.constant 0 : i32
      %dma_start3A_210 = arith.constant 0 : i32
      %dma_start3A_211 = tpu.memref_slice %arg7[%dma_start3A_209, %dma_start3A_210] : memref<101x128xf32, #tpu.memory_space<vmem_shared>> -> memref<101x128xf32, #tpu.memory_space<vmem_shared>>
      tpu.enqueue_indirect_dma source(%dma_start3A_211 : memref<101x128xf32, #tpu.memory_space<vmem_shared>>) target(%arg16 : memref<32x128xf32, #tpu.memory_space<vmem>>) offsets(%arg15 : memref<32xi32, #tpu.memory_space<vmem>>) semaphore(%arg23 : memref<!tpu.dma_semaphore, #tpu.memory_space<semaphore_mem>>)
      %dma_wait3A_212 = arith.constant 0 : i32
      %dma_wait3A_213 = arith.constant 0 : i32
      %dma_wait3A_214 = tpu.memref_slice %arg7[%dma_wait3A_212, %dma_wait3A_213] : memref<101x128xf32, #tpu.memory_space<vmem_shared>> -> memref<101x128xf32, #tpu.memory_space<vmem_shared>>
      tpu.wait_indirect_dma semaphore(%arg23 : memref<!tpu.dma_semaphore, #tpu.memory_space<semaphore_mem>>) src(%dma_wait3A_214 : memref<101x128xf32, #tpu.memory_space<vmem_shared>>) dst(%arg16 : memref<32x128xf32, #tpu.memory_space<vmem>>)
      "tpu.region"() ({
        %run_scoped3A = tpu.sem_alloc : memref<!tpu.dma_semaphore, #tpu.memory_space<semaphore_mem>>
        %dma_start3A_215 = arith.constant 499968 : i32
        %dma_start3A_216 = arith.constant 0 : i32
        %dma_start3A_217 = tpu.memref_slice %arg5[%dma_start3A_215, %dma_start3A_216] : memref<500000x128xf32, #tpu.memory_space<hbm>> -> memref<32x128xf32, #tpu.memory_space<hbm>>
        %dma_start3A_218 = arith.constant 499968 : i32
        %dma_start3A_219 = arith.constant 0 : i32
        %dma_start3A_220 = tpu.memref_slice %arg5[%dma_start3A_218, %dma_start3A_219] : memref<500000x128xf32, #tpu.memory_space<hbm>> -> memref<32x128xf32, #tpu.memory_space<hbm>>
        tpu.enqueue_dma source(%arg16 : memref<32x128xf32, #tpu.memory_space<vmem>>) target(%dma_start3A_220 : memref<32x128xf32, #tpu.memory_space<hbm>>) target_semaphore(%run_scoped3A : memref<!tpu.dma_semaphore, #tpu.memory_space<semaphore_mem>>)
        %dma_wait3A_221 = arith.constant 499968 : i32
        %dma_wait3A_222 = arith.constant 0 : i32
        %dma_wait3A_223 = tpu.memref_slice %arg5[%dma_wait3A_221, %dma_wait3A_222] : memref<500000x128xf32, #tpu.memory_space<hbm>> -> memref<32x128xf32, #tpu.memory_space<hbm>>
        %dma_wait3A_224 = arith.constant 499968 : i32
        %dma_wait3A_225 = arith.constant 0 : i32
        %dma_wait3A_226 = tpu.memref_slice %arg5[%dma_wait3A_224, %dma_wait3A_225] : memref<500000x128xf32, #tpu.memory_space<hbm>> -> memref<32x128xf32, #tpu.memory_space<hbm>>
        tpu.wait_dma2 semaphore(%run_scoped3A : memref<!tpu.dma_semaphore, #tpu.memory_space<semaphore_mem>>) src(%arg16 : memref<32x128xf32, #tpu.memory_space<vmem>>) dst(%dma_wait3A_226 : memref<32x128xf32, #tpu.memory_space<hbm>>)
        tpu.yield
      }) : () -> ()
    } else {
    }
    return
  }
}

</mosaic_0001>

<sc_bundles>
// kernel: _run.3.cloned.1.call-start
scs
__scs_entry_jumppad:
0x0: {  	(pc) =	sbr.rel $0x88, $3  }
0x1: {  	(tag) =	ssettag $0x0;
	lr =	simm.s32 $0x1  }
0x2: {  	[smem:$0x3F9E] =	sst lr;
	_ =	strace $0xD0000000  }
0x3: {  	_ = 	snop  }
0x4: {  	_ = 	snop  }
0x5: {  	_ = 	snop  }
0x6: {  	_ = 	snop  }
0x7: {  	_ = 	snop  }
__scs_overlays_trampoline_lowered:
0x8: {  	[smem:$0x3FAD] =	sst s0  }
0x9: {  	[smem:$0x3FAE] =	sst s1  }
0xa: {  	[smem:$0x3FAF] =	sst s2  }
0xb: {  	[smem:$0x3FB0] =	sst s3  }
0xc: {  	[smem:$0x3FB1] =	sst s4  }
0xd: {  	[smem:$0x3FB2] =	sst s5  }
0xe: {  	[smem:$0x3FB3] =	sst s6  }
0xf: {  	[smem:$0x3FB4] =	sst s7  }
0x10: {  	[smem:$0x3FB5] =	sst s8  }
0x11: {  	[smem:$0x3FB6] =	sst s9;
	s0 =	simm.s32 @!p0 $0x0  }
0x12: {  	s1 =	sld [smem:$0x3F9C];
	s0 =	simm.s32 @p0 $0x1  }
0x13: {  	[smem:$0x3FB7] =	sst s0;
	s0 =	simm.s32 @!p1 $0x0  }
0x14: {  	s2 =	sld [smem:$0x3F9B];
	s0 =	simm.s32 @p1 $0x1  }
0x15: {  	[smem:$0x3FB8] =	sst s0;
	s0 =	simm.s32 @!p2 $0x0  }
0x16: {  	s3 =	sld [smem:$0x3FDB];
	s0 =	simm.s32 @p2 $0x1  }
0x17: {  	s4 =	simm.s32 $0x1BF5;
	[smem:$0x3FBA] =	sst s0  }
0x18: {  	s0 =	sld [smem:$0x3F9D];
	_ =	swait.ge [sflag:s4], $0x0  }
0x19: {  	s7 =	sld [smem:$0x3F9E]  }
0x1a: {  	s8 =	sadd.s32 $0xFFFFE003, lr  }
0x1b: {  	s9 =	sadd.s32 $0xFFFFFEF7, lr;
	s5 =	simm.s32 $0xFFFFFFFF;
	p2 =	slt.u32 s8, $0xFFFFF086  }
0x1c: {  	p1 =	slt.u32 s9, $0xF7A;
	s5 =	simm.s32 @!p2 $0x0  }
0x1d: {  	s5 =	simm.s32 @p1 $0x1;
	p0 =	seq.s32 s7, s2  }
0x1e: {  	s7 =	smul.u32 @!p0 $0xF7A, s2;
	p2 =	seq.s32 @!p0 s5, $0x0  }
0x1f: {  	s9 =	smul.u32 $0xF7A, s1;
	s8 =	simm.s32 @!p0 $0x1BF5;
	p2 =	por !p2, p0  }
0x20: {  	[sflag:s8] =	ssyncset.s32 @!p0 $0xFFFFF086;
	s6 =	sadd.s32 @!p0 s3, s7;
	s7 =	simm.s32 @!p0 $0x108  }
0x21: {  	s3 =	sadd.s32 s3, s9;
	s6 =	sadd.s32 @!p0 $0x88, s6;
	s7 =	simm.s32 @p2 $0x1082  }
0x22: {  	[simem:s7], [sflag:s8] =	dma.local @!p0 [hbm:s6], $0xF7A  }
0x23: {  	s9 =	sor.u32 $0xD0000000, s2;
	s6 =	simm.s32 $0x108;
	_ =	swait.ge @!p0 [sflag:s8], $0x0  }
0x24: {  	s3 =	sadd.s32 $0x88, s3;
	s6 =	simm.s32 @!p1 $0x1082;
	[sflag:s4] =	ssyncset.s32 $0xFFFFF086  }
0x25: {  	[simem:s6], [sflag:s4] =	dma.local [hbm:s3], $0xF7A  }
0x26: {  	[smem:$0x3F9E] =	sst s1;
	(tag) =	ssettag s2;
	_ =	strace s9  }
0x27: {  	s1 =	sld [smem:$0x3FAE]  }
0x28: {  	s2 =	sld [smem:$0x3FAF]  }
0x29: {  	s4 =	sld [smem:$0x3FB1]  }
0x2a: {  	p0 =	seq.s32 s5, $0x0;
	s5 =	sld [smem:$0x3FB2]  }
0x2b: {  	s6 =	sld [smem:$0x3FB3]  }
0x2c: {  	s7 =	sld [smem:$0x3FB4]  }
0x2d: {  	s3 =	simm.s32 $0x108;
	s8 =	sld [smem:$0x3FB5]  }
0x2e: {  	s3 =	simm.s32 @!p0 $0x1082;
	s9 =	sld [smem:$0x3FB6]  }
0x2f: {  	lr =	sadd.s32 s0, s3;
	s0 =	sld [smem:$0x3FAD]  }
0x30: {  	s3 =	sld [smem:$0x3FB0]  }
0x31: {  	[smem:$0x3FB9] =	sst s10  }
0x32: {  	s10 =	sld [smem:$0x3FB7];
	_ =	sdelay $0x3  }
0x33: {  	p0 =	seq.s32 s10, $0x1;
	s10 =	sld [smem:$0x3FB9];
	_ =	sdelay $0x3  }
0x34: {  	[smem:$0x3FB9] =	sst s10  }
0x35: {  	s10 =	sld [smem:$0x3FB8];
	_ =	sdelay $0x3  }
0x36: {  	p1 =	seq.s32 s10, $0x1;
	s10 =	sld [smem:$0x3FB9];
	_ =	sdelay $0x3  }
0x37: {  	[smem:$0x3FB9] =	sst s10  }
0x38: {  	s10 =	sld [smem:$0x3FBA]  }
0x39: {  	_ = 	snop;
	(pc) =	sbr.ind lr, $3  }
0x3a: {  	_ = 	snop  }
0x3b: {  	_ = 	snop  }
0x3c: {  	p2 =	seq.s32 s10, $0x1;
	s10 =	sld [smem:$0x3FB9]  }
0x3d: {  	_ =	shalt  }
0x3e: {  	_ =	shalt  }
0x3f: {  	_ =	shalt  }
0x40: {  	_ =	shalt  }
0x41: {  	_ =	shalt  }
0x42: {  	_ =	shalt  }
0x43: {  	_ =	shalt  }
0x44: {  	_ =	shalt  }
0x45: {  	_ =	shalt  }
0x46: {  	_ =	shalt  }
0x47: {  	_ =	shalt  }
0x48: {  	_ =	shalt  }
0x49: {  	_ =	shalt  }
0x4a: {  	_ =	shalt  }
0x4b: {  	_ =	shalt  }
0x4c: {  	_ =	shalt  }
0x4d: {  	_ =	shalt  }
0x4e: {  	_ =	shalt  }
0x4f: {  	_ =	shalt  }
0x50: {  	_ =	shalt  }
0x51: {  	_ =	shalt  }
0x52: {  	_ =	shalt  }
0x53: {  	_ =	shalt  }
0x54: {  	_ =	shalt  }
0x55: {  	_ =	shalt  }
0x56: {  	_ =	shalt  }
0x57: {  	_ =	shalt  }
0x58: {  	_ =	shalt  }
0x59: {  	_ =	shalt  }
0x5a: {  	_ =	shalt  }
0x5b: {  	_ =	shalt  }
0x5c: {  	_ =	shalt  }
0x5d: {  	_ =	shalt  }
0x5e: {  	_ =	shalt  }
0x5f: {  	_ =	shalt  }
0x60: {  	_ =	shalt  }
0x61: {  	_ =	shalt  }
0x62: {  	_ =	shalt  }
0x63: {  	_ =	shalt  }
0x64: {  	_ =	shalt  }
0x65: {  	_ =	shalt  }
0x66: {  	_ =	shalt  }
0x67: {  	_ =	shalt  }
0x68: {  	_ =	shalt  }
0x69: {  	_ =	shalt  }
0x6a: {  	_ =	shalt  }
0x6b: {  	_ =	shalt  }
0x6c: {  	_ =	shalt  }
0x6d: {  	_ =	shalt  }
0x6e: {  	_ =	shalt  }
0x6f: {  	_ =	shalt  }
0x70: {  	_ =	shalt  }
0x71: {  	_ =	shalt  }
0x72: {  	_ =	shalt  }
0x73: {  	_ =	shalt  }
0x74: {  	_ =	shalt  }
0x75: {  	_ =	shalt  }
0x76: {  	_ =	shalt  }
0x77: {  	_ =	shalt  }
0x78: {  	_ =	shalt  }
0x79: {  	_ =	shalt  }
0x7a: {  	_ =	shalt  }
0x7b: {  	_ =	shalt  }
0x7c: {  	_ =	shalt  }
0x7d: {  	_ =	shalt  }
0x7e: {  	_ =	shalt  }
0x7f: {  	_ =	shalt  }
0x80: {  	_ =	shalt  }
0x81: {  	_ =	shalt  }
0x82: {  	_ =	shalt  }
0x83: {  	_ =	shalt  }
0x84: {  	_ =	shalt  }
0x85: {  	_ =	shalt  }
0x86: {  	_ =	shalt  }
0x87: {  	_ =	shalt  }
.Lfunc_end0:
.L_simem_size_0:
called_computation_lowered:
.L_overlay_start_0:
0x88: {  	s2 =	sld [smem:$0x3FD9]  }
0x89: {  	s3 =	sld [smem:$0x3FFE];
	_ =	sdelay $0x1  }
0x8a: {  	s1 =	srdreg.scid  }
0x8b: {  	s0 =	sand.u32 $0x1, s1  }
0x8c: {  	s18 =	sshll.u32 s0, $0xA;
	s2 =	sadd.s32 s3, s2  }
0x8d: {  	s2 =	sadd.s32 s2, s18  }
0x8e: {  	[smem:$0x3FC5] =	sst s2  }
0x8f: {  	_ = 	snop  }
0x90: {  	s2 =	sld [smem:$0x3FC9]  }
0x91: {  	s19 =	sld [smem:$0x3FC8]  }
0x92: {  	s4 =	sld [smem:$0x3FC7]  }
0x93: {  	s5 =	sld [smem:$0x3FD0];
	(tm) =	ssettm $0x1  }
0x94: {  	s6 =	sld [smem:$0x3FFB];
	_ =	sdelay $0x3  }
0x95: {  	_ =	strace s6  }
0x96: {  	s6 =	sld [smem:$0x3FFC];
	_ =	sdelay $0x3  }
0x97: {  	_ =	strace s6  }
0x98: {  	s6 =	sld [smem:$0x3FFD];
	_ =	sdelay $0x3  }
0x99: {  	_ =	strace s6  }
0x9a: {  	_ =	strace $0x8FFFFFFF  }
0x9b: {  	s20 =	sld [smem:$0x3FDB];
	_ =	sdelay $0x1  }
0x9c: {  	s7 =	simm.s32 $_scs_section_size  }
0x9d: {  	s8 =	simm.s32 $_size__tile_overlayer_lowered;
	s9 =	simm.s32 $_tile_overlayer_lowered  }
0x9e: {  	s23 =	simm.s32 $0x1BFF;
	s22 =	sshll.u32 s9, $0x1;
	s6 =	sadd.s32 s7, s20  }
0x9f: {  	s10 =	simm.s32 $0x0;
	s21 =	sshll.u32 s8, $0x1;
	s8 =	sadd.s32 s22, s6  }
0xa0: {  	[timem:s10], [sflag:s23] =	dma.local [hbm:s8], s21  }
0xa1: {  	_ =	swait.ge [sflag:s23], s21  }
0xa2: {  	s7 =	ssub.s32 $0x0, s21;
	[sflag:s23] =	ssyncset.done $0x0  }
0xa3: {  	[sflag:s23] =	ssyncadd.s32 s7;
	_ =	sdelay $0x1  }
0xa4: {  	s24 =	simm.s32 $0x1B8B  }
0xa5: {  	_ =	swait.ge [sflag:s24], $0x1  }
0xa6: {  	[sflag:s24] =	ssyncset.done $0x0  }
0xa7: {  	s25 =	simm.s32 $0x1B8E;
	[sflag:s24] =	ssyncadd.s32 $0xFFFFFFFF  }
0xa8: {  	s26 =	simm.s32 $execute0_lowered;
	[smem:$0x3FD2] =	sst s25  }
0xa9: {  	s7 =	sshll.u32 s26, $0x1;
	_ =	strace $0x80000046;
	[dreg:$0x1] =	wrdreg $0xFFFFFFFF  }
0xaa: {  	s28 =	simm.s32 $_size_execute0_lowered;
	s6 =	sadd.s32 s6, s7;
	[dreg:$0x0] =	wrdreg $0x0  }
0xab: {  	s7 =	sshll.u32 s28, $0x1;
	[dreg:$0x2] =	wrdreg s6  }
0xac: {  	[dreg:$0x3] =	wrdreg s7  }
0xad: {  	[dreg:$0x4] =	wrdreg $0xC0  }
0xae: {  	_ =	task [dreg:s10], $0x5FFFF  }
0xaf: {  	[dreg:$0x1] =	wrdreg $0xFFFFFFFF  }
0xb0: {  	[dreg:$0x0] =	wrdreg $0x60  }
0xb1: {  	[dreg:$0x2] =	wrdreg s2  }
0xb2: {  	[dreg:$0x3] =	wrdreg s19  }
0xb3: {  	[dreg:$0x4] =	wrdreg s4  }
0xb4: {  	[dreg:$0x5] =	wrdreg s5  }
0xb5: {  	[dreg:$0x6] =	wrdreg $0x800  }
0xb6: {  	[dreg:$0x7] =	wrdreg $0x9  }
0xb7: {  	_ =	task.clear_ibuf [dreg:s10], $0x8FFFF;
	_ =	strace $0x90000046  }
0xb8: {  	s29 =	simm.s32 $0x9;
	_ =	strace $0x80000048  }
0xb9: {  	_ =	swait.ge [sflag:s29], $0x1  }
0xba: {  	[sflag:s29] =	ssyncadd.s32 $0xFFFFFFFF  }
0xbb: {  	_ =	strace $0x90000048  }
0xbc: {  	_ =	sfence  }
0xbd: {  	s30 =	sld [smem:$0x0];
	_ =	sdelay $0x2  }
0xbe: {  	s31 =	sshll.u32 s1, $0xD;
	s1 =	sshrl.u32 s1, $0x2  }
0xbf: {  	s3 =	sand.u32 $0x4000, s31;
	s1 =	sadd.s32 s1, s30  }
0xc0: {  	s0 =	sor.u32 s3, s0;
	s1 =	sshll.u32 s1, $0x11  }
0xc1: {  	s0 =	sor.u32 s1, s0  }
0xc2: {  	s0 =	sadd.s32 $0x8F2B, s0  }
0xc3: {  	[sflag:s0] =	ssyncadd.remote.s32 $0x1  }
0xc4: {  	_ =	sfence.sel $0xFFFF  }
0xc5: {  	[dreg:$0x0] =	wrdreg $0xFFFFFFFF;
	(pc) =	sbr.abs _section_cstart, $3  }
0xc6: {  	[dreg:$0x1] =	wrdreg $0xFFFFFFFF  }
0xc7: {  	_ =	task.clear_ibuf [dreg:s10], $0x2FFFF;
	_ =	strace $0x9FFFFFFF  }
0xc8: {  	(tm) =	ssettm $0x7FFFFFFF  }
0xc9: {  	_ =	shalt  }
tec
execute0_lowered:
.L_overlay_start_1:
0x0: {  	(tag) =	ssettag $0x1  }
0x1: {  	s0 =	rddreg [dreg:$0x0]  }
0x2: {  	s5 =	rddreg [dreg:$0x3];
	s1 =	srdreg.scid  }
0x3: {  	s10 =	stileid.u32;
	s6 =	rddreg [dreg:$0x4];
	s7 =	simm.s32 $0x0  }
0x4: {  	s28 =	simm.s32 $0xAA8;
	s29 =	simm.s32 $0x728;
	s30 =	simm.s32 $0x4AA8  }
0x5: {  	s31 =	simm.s32 $0x7A8;
	s15 =	simm.s32 $0xCAA8;
	s16 =	simm.s32 $0x928  }
0x6: {  	s17 =	simm.s32 $0x10AA8;
	s14 =	simm.s32 $0x6;
	s1 =	sand.u32 $0x1, s1  }
0x7: {  	s2 =	sshll.u32 s10, $0x1;
	[smem:$0x7FF] =	sst s7;
	s23 =	sadd.s32 $0xF420, s0  }
0x8: {  	s24 =	sadd.s32 $0x7A1000, s5;
	s25 =	sshll.u32 s10, $0x6;
	s26 =	sshrl.u32 s6, $0x3  }
0x9: {  	p0 =	slt.u32 s10, $0xB;
	_ =	strace $0x80000047;
	[dreg:$0xa] =	wrdreg s23  }
0xa: {  	p1 =	sgt.u32 s10, $0xA;
	s10 =	simm.s32 $0x14AA8;
	[dreg:$0xb] =	wrdreg s24  }
0xb: {  	s8 =	sor.u32 s1, s2;
	s1 =	ssub.s32 $0x2, s1;
	[dreg:$0xe] =	wrdreg s26  }
0xc: {  	s23 =	simm.s32 $0x528;
	s24 =	simm.s32 $0x1;
	s2 =	smul.u32 $0x180, s8  }
0xd: {  	s26 =	simm.s32 $0x6A8;
	s3 =	smul.u32 $0x30, s8;
	s4 =	sshrl.u32 s1, $0x1  }
0xe: {  	s9 =	smul.u32 $0xC000, s8;
	s11 =	sor.u32 $0xFFFFFFE0, s8;
	s12 =	sor.u32 $0x40, s8  }
0xf: {  	s13 =	sor.u32 $0x60, s8;
	p2 =	sne.s32 s8, $0x1F;
	s1 =	ssub.s32 s1, s4  }
0x10: {  	s4 =	simm.s32 $0x8AA8;
	s2 =	sshrl.u32 s2, $0x3;
	s3 =	sadd.s32 s0, s3  }
0x11: {  	s21 =	sshrl.u32 s9, $0x3;
	s1 =	smax.u32 s1, $0x1;
	[dreg:$0x6] =	wrdreg s3  }
0x12: {  	s9 =	simm.s32 $0x9A8;
	s2 =	sadd.s32 s0, s2;
	[dreg:$0xc] =	wrdreg s1  }
.Ltmp0:
0x13: {  	v0 =	vimm.s32 $0x3F;
	s1 =	sor.u32 $0x1C08, s25;
	s2 =	sadd.s32 $0x600, s2;
	(pc) =	sbr.rel .LBB2_1-.Ltmp0, $4  }
0x14: {  	s25 =	simm.s32 $0x80;
	[dreg:$0x7] =	wrdreg s2;
	s2 =	sadd.s32 s21, s5  }
0x15: {  	s3 =	simm.s32 $0x8A8;
	[dreg:$0xd] =	wrdreg s1;
	s22 =	sadd.s32 $0x750000, s2  }
0x16: {  	s1 =	simm.s32 $0x3;
	s2 =	sadd.s32 $0x780000, s2;
	[dreg:$0x8] =	wrdreg s22  }
0x17: {  	v1 =	vimm.s32 $0x0;
	[dreg:$0x9] =	wrdreg s2;
	s2 =	simm.s32 $0x2;
	s22 =	simm.s32 $0x0  }
.LBB2_22:
0x18: {  	s22 =	sadd.s32 $0x1, s22;
	s18 =	rddreg [dreg:$0xc]  }
0x19: {  	p3 =	sne.s32 s22, s18  }
.Ltmp1:
0x1a: {  	_ = 	snop;
	(pc) =	sbr.rel @!p3 .LBB2_23-.Ltmp1, $1  }
0x1b: {  	_ =	sdelay $0x3  }
.LBB2_1:
0x1c: {  	[dreg:$0xf] =	wrdreg s22  }
0x1d: {  	s18 =	rddreg [dreg:$0x1];
	s19 =	simm.s32 $0x8  }
0x1e: {  	[tilespmem:s7], [sflag:$0x8] =	stream.linear.gather [hbm4b:s18+s7], $0x80, $0x38;
	[tilespmem:$0x19BA8] =	vst v63  }
0x1f: {  	_ =	swait.ge [sflag:s19], $0x80  }
0x20: {  	[sflag:s19] =	ssyncset.done $0x0;
	s20 =	rddreg [dreg:$0xd]  }
0x21: {  	s21 =	rddreg [dreg:$0xe];
	[sflag:s19] =	ssyncadd.s32 $0xFFFFFF80  }
0x22: {  	s22 =	rddreg [dreg:$0x2]  }
0x23: {  	[spmem:s21], [sflag:s20] =	dma.local [hbm:s22], $0x650  }
0x24: {  	_ =	swait.ge [sflag:s19], $0x650  }
.Ltmp2:
0x25: {  	[sflag:s19] =	ssyncset.done $0x0;
	(pc) =	sbr.rel .LBB2_2-.Ltmp2, $4  }
0x26: {  	s21 =	simm.s32 $0x3A8;
	s20 =	rddreg [dreg:$0x6];
	[sflag:s19] =	ssyncadd.s32 $0xFFFFF9B0  }
0x27: {  	[tilespmem:s21], [sflag:$0x1] =	stream.linear.gather [hbm4b:s20+s7], $0x180, $0x38;
	[tilespmem:$0x19BA8] =	vst v63  }
0x28: {  	s22 =	rddreg [dreg:$0x7];
	s20 =	simm.s32 $0x0  }
0x29: {  	[tilespmem:s23], [sflag:$0x2] =	stream.linear.gather [hbm4b:s22+s7], $0x180, $0x38;
	[tilespmem:$0x19BA8] =	vst v63  }
.LBB2_11:
0x2a: {  	[tilespmem:s15], [sflag:$0x4] =	stream.indirect.gather [spmem:s6], $0x80, s3, s25, $0xb8;
	[tilespmem:$0x19BA8] =	vst v63  }
0x2b: {  	_ = 	snop  }
0x2c: {  	[tilespmem:s17], [sflag:$0x4] =	stream.indirect.gather [spmem:s6], $0x80, s16, s25, $0xb8;
	[tilespmem:$0x19BA8] =	vst v63  }
0x2d: {  	_ = 	snop  }
0x2e: {  	[tilespmem:s10], [sflag:$0x4] =	stream.indirect.gather [spmem:s6], $0x80, s9, s25, $0xb8;
	[tilespmem:$0x19BA8] =	vst v63  }
.LBB2_13:
0x2f: {  	s18 =	sadd.s32 s13, s19  }
0x30: {  	s18 =	smul.u32 $0x30, s18;
	_ =	sdelay $0x1  }
0x31: {  	s20 =	sadd.s32 $0x1, s20;
	s18 =	sadd.s32 s0, s18  }
0x32: {  	[tilespmem:s23], [sflag:$0x2] =	stream.linear.gather [hbm4b:s18+s7], $0x180, $0x38;
	[tilespmem:$0x19BA8] =	vst v63  }
.LBB2_2:
0x33: {  	p3 =	seq.s32 s20, $0x0  }
0x34: {  	s18 =	simm.s32 @!p3 $0x4  }
0x35: {  	_ =	swait.ge @!p3 [sflag:s18], $0x4000  }
0x36: {  	[sflag:s18] =	ssyncset.done @!p3 $0x0  }
0x37: {  	[sflag:s18] =	ssyncadd.s32 @!p3 $0xFFFFC000  }
0x38: {  	_ =	swait.ge @!p3 [sflag:s18], $0x4000  }
0x39: {  	s19 =	sshll.u32 s20, $0x6;
	[sflag:s18] =	ssyncset.done @!p3 $0x0  }
0x3a: {  	s21 =	sadd.s32 @!p3 s11, s19;
	[sflag:s18] =	ssyncadd.s32 @!p3 $0xFFFFC000  }
0x3b: {  	s21 =	smul.u32 @!p3 $0x1800, s21;
	_ =	swait.ge @!p3 [sflag:s18], $0x4000  }
0x3c: {  	s22 =	simm.s32 @!p3 $0xCAA8;
	[sflag:s18] =	ssyncset.done @!p3 $0x0  }
0x3d: {  	[sflag:s18] =	ssyncadd.s32 @!p3 $0xFFFFC000;
	s18 =	sadd.s32 @!p3 s5, s21;
	s21 =	simm.s32 @!p3 $0x0  }
0x3e: {  	[hbm4b:s18+s21] =	stream.linear.scatter @!p3 [tilespmem:s22], [sflag:$0x6], $0xC000, $0x38;
	[tilespmem:$0x19BA8] =	vst v63  }
0x3f: {  	_ =	swait.ge [sflag:s24], $0x180  }
0x40: {  	[sflag:s24] =	ssyncset.done $0x0  }
0x41: {  	s18 =	simm.s32 $0x0;
	s21 =	simm.s32 $0x0;
	[sflag:s24] =	ssyncadd.s32 $0xFFFFFE80  }
.LBB2_3:
0x42: {  	s22 =	sshra.s32 s21, $0x2;
	v3 =	vld.idx.msk [tilespmem:v0+s18+$0x0], $0xffff  }
0x43: {  	v2 =	vld [tilespmem:s22+$0x3A8];
	_ =	sdelay $0x4  }
0x44: {  	vm0 =	vlt.f32 v3, v2  }
0x45: {  	v3 =	vsel vm0, $0x40, v1  }
0x46: {  	v4 =	vor.u32 $0x1F, v3;
	_ =	sdelay $0x4  }
0x47: {  	v4 =	vld.idx.msk [tilespmem:v4+s18+$0x0], $0xffff;
	_ =	sdelay $0x4  }
0x48: {  	v59 =	vor.u32 $0x20, v3;
	vm10 =	vlt.f32 v4, v2  }
0x49: {  	v3 =	vsel vm10, v59, v3  }
0x4a: {  	v4 =	vor.u32 $0xF, v3;
	_ =	sdelay $0x4  }
0x4b: {  	v4 =	vld.idx.msk [tilespmem:v4+s18+$0x0], $0xffff;
	_ =	sdelay $0x4  }
0x4c: {  	v60 =	vor.u32 $0x10, v3;
	vm11 =	vlt.f32 v4, v2  }
0x4d: {  	v3 =	vsel vm11, v60, v3  }
0x4e: {  	v4 =	vor.u32 $0x7, v3;
	_ =	sdelay $0x4  }
0x4f: {  	v4 =	vld.idx.msk [tilespmem:v4+s18+$0x0], $0xffff;
	_ =	sdelay $0x4  }
0x50: {  	v61 =	vor.u32 $0x8, v3;
	vm12 =	vlt.f32 v4, v2  }
0x51: {  	v3 =	vsel vm12, v61, v3  }
0x52: {  	v4 =	vadd.s32 $0x3, v3;
	_ =	sdelay $0x4  }
0x53: {  	v4 =	vld.idx.msk [tilespmem:v4+s18+$0x0], $0xffff;
	_ =	sdelay $0x4  }
0x54: {  	v62 =	vadd.s32 $0x4, v3;
	vm13 =	vlt.f32 v4, v2  }
0x55: {  	v3 =	vsel vm13, v62, v3  }
0x56: {  	v4 =	vadd.s32 $0x1, v3;
	_ =	sdelay $0x4  }
0x57: {  	v4 =	vld.idx.msk [tilespmem:v4+s18+$0x0], $0xffff;
	_ =	sdelay $0x4  }
0x58: {  	v63 =	vadd.s32 $0x2, v3;
	vm14 =	vlt.f32 v4, v2  }
0x59: {  	v3 =	vsel vm14, v63, v3;
	_ =	sdelay $0x4  }
0x5a: {  	v4 =	vld.idx.msk [tilespmem:v3+s18+$0x0], $0xffff;
	_ =	sdelay $0x2  }
0x5b: {  	p4 =	sne.s32 s21, $0x1C0  }
.Ltmp3:
0x5c: {  	_ = 	snop;
	(pc) =	sbr.rel @p4 .LBB2_3-.Ltmp3, $4  }
0x5d: {  	vm15 =	vlt.f32 v4, v2  }
0x5e: {  	v2 =	vsel vm15, $0x1, v1  }
0x5f: {  	v2 =	vadd.s32 v2, v3  }
0x60: {  	s21 =	sadd.s32 $0x40, s21;
	[tilespmem:s22+$0x6A8] =	vst v2  }
.LBB2_4:
0x61: {  	s22 =	sshra.s32 s18, $0x2  }
0x62: {  	s21 =	simm.s32 $0x0;
	v2 =	vld [tilespmem:s22+$0x428]  }
0x63: {  	v3 =	vld.idx.msk [tilespmem:v0+s21+$0x0], $0xffff;
	_ =	sdelay $0x4  }
0x64: {  	vm0 =	vlt.f32 v3, v2  }
0x65: {  	v3 =	vsel vm0, $0x40, v1  }
0x66: {  	v4 =	vor.u32 $0x1F, v3;
	_ =	sdelay $0x4  }
0x67: {  	v4 =	vld.idx.msk [tilespmem:v4+s21+$0x0], $0xffff;
	_ =	sdelay $0x4  }
0x68: {  	v59 =	vor.u32 $0x20, v3;
	vm10 =	vlt.f32 v4, v2  }
0x69: {  	v3 =	vsel vm10, v59, v3  }
0x6a: {  	v4 =	vor.u32 $0xF, v3;
	_ =	sdelay $0x4  }
0x6b: {  	v4 =	vld.idx.msk [tilespmem:v4+s21+$0x0], $0xffff;
	_ =	sdelay $0x4  }
0x6c: {  	v60 =	vor.u32 $0x10, v3;
	vm11 =	vlt.f32 v4, v2  }
0x6d: {  	v3 =	vsel vm11, v60, v3  }
0x6e: {  	v4 =	vor.u32 $0x7, v3;
	_ =	sdelay $0x4  }
0x6f: {  	v4 =	vld.idx.msk [tilespmem:v4+s21+$0x0], $0xffff;
	_ =	sdelay $0x4  }
0x70: {  	v61 =	vor.u32 $0x8, v3;
	vm12 =	vlt.f32 v4, v2  }
0x71: {  	v3 =	vsel vm12, v61, v3  }
0x72: {  	v4 =	vadd.s32 $0x3, v3;
	_ =	sdelay $0x4  }
0x73: {  	v4 =	vld.idx.msk [tilespmem:v4+s21+$0x0], $0xffff;
	_ =	sdelay $0x4  }
0x74: {  	v62 =	vadd.s32 $0x4, v3;
	vm13 =	vlt.f32 v4, v2  }
0x75: {  	v3 =	vsel vm13, v62, v3  }
0x76: {  	v4 =	vadd.s32 $0x1, v3;
	_ =	sdelay $0x4  }
0x77: {  	v4 =	vld.idx.msk [tilespmem:v4+s21+$0x0], $0xffff;
	_ =	sdelay $0x4  }
0x78: {  	v63 =	vadd.s32 $0x2, v3;
	vm14 =	vlt.f32 v4, v2  }
0x79: {  	v3 =	vsel vm14, v63, v3;
	_ =	sdelay $0x4  }
0x7a: {  	v4 =	vld.idx.msk [tilespmem:v3+s21+$0x0], $0xffff;
	_ =	sdelay $0x2  }
0x7b: {  	p4 =	sne.s32 s18, $0x1C0  }
.Ltmp4:
0x7c: {  	_ = 	snop;
	(pc) =	sbr.rel @p4 .LBB2_4-.Ltmp4, $4  }
0x7d: {  	vm15 =	vlt.f32 v4, v2  }
0x7e: {  	v2 =	vsel vm15, $0x1, v1  }
0x7f: {  	v2 =	vadd.s32 v2, v3  }
0x80: {  	s18 =	sadd.s32 $0x40, s18;
	[tilespmem:s22+$0x728] =	vst v2  }
.LBB2_5:
0x81: {  	s18 =	sshra.s32 s21, $0x2;
	v3 =	vld.idx.msk [tilespmem:v0+s7+$0x0], $0xffff  }
0x82: {  	v2 =	vld [tilespmem:s18+$0x4A8];
	_ =	sdelay $0x4  }
0x83: {  	vm0 =	vlt.f32 v3, v2  }
0x84: {  	v3 =	vsel vm0, $0x40, v1  }
0x85: {  	v4 =	vor.u32 $0x1F, v3;
	_ =	sdelay $0x4  }
0x86: {  	v4 =	vld.idx.msk [tilespmem:v4+s7+$0x0], $0xffff;
	_ =	sdelay $0x4  }
0x87: {  	v59 =	vor.u32 $0x20, v3;
	vm10 =	vlt.f32 v4, v2  }
0x88: {  	v3 =	vsel vm10, v59, v3  }
0x89: {  	v4 =	vor.u32 $0xF, v3;
	_ =	sdelay $0x4  }
0x8a: {  	v4 =	vld.idx.msk [tilespmem:v4+s7+$0x0], $0xffff;
	_ =	sdelay $0x4  }
0x8b: {  	v60 =	vor.u32 $0x10, v3;
	vm11 =	vlt.f32 v4, v2  }
0x8c: {  	v3 =	vsel vm11, v60, v3  }
0x8d: {  	v4 =	vor.u32 $0x7, v3;
	_ =	sdelay $0x4  }
0x8e: {  	v4 =	vld.idx.msk [tilespmem:v4+s7+$0x0], $0xffff;
	_ =	sdelay $0x4  }
0x8f: {  	v61 =	vor.u32 $0x8, v3;
	vm12 =	vlt.f32 v4, v2  }
0x90: {  	v3 =	vsel vm12, v61, v3  }
0x91: {  	v4 =	vadd.s32 $0x3, v3;
	_ =	sdelay $0x4  }
0x92: {  	v4 =	vld.idx.msk [tilespmem:v4+s7+$0x0], $0xffff;
	_ =	sdelay $0x4  }
0x93: {  	v62 =	vadd.s32 $0x4, v3;
	vm13 =	vlt.f32 v4, v2  }
0x94: {  	v3 =	vsel vm13, v62, v3  }
0x95: {  	v4 =	vadd.s32 $0x1, v3;
	_ =	sdelay $0x4  }
0x96: {  	v4 =	vld.idx.msk [tilespmem:v4+s7+$0x0], $0xffff;
	_ =	sdelay $0x4  }
0x97: {  	v63 =	vadd.s32 $0x2, v3;
	vm14 =	vlt.f32 v4, v2  }
0x98: {  	v3 =	vsel vm14, v63, v3;
	_ =	sdelay $0x4  }
0x99: {  	v4 =	vld.idx.msk [tilespmem:v3+s7+$0x0], $0xffff;
	_ =	sdelay $0x2  }
0x9a: {  	p4 =	sne.s32 s21, $0x1C0  }
.Ltmp5:
0x9b: {  	_ = 	snop;
	(pc) =	sbr.rel @p4 .LBB2_5-.Ltmp5, $4  }
0x9c: {  	vm15 =	vlt.f32 v4, v2  }
0x9d: {  	v2 =	vsel vm15, $0x1, v1  }
0x9e: {  	v2 =	vadd.s32 v2, v3  }
0x9f: {  	s21 =	sadd.s32 $0x40, s21;
	[tilespmem:s18+$0x7A8] =	vst v2  }
0xa0: {  	s18 =	simm.s32 @!p3 $0x5  }
0xa1: {  	_ =	swait.ge @!p3 [sflag:s18], $0xC000  }
0xa2: {  	[sflag:s18] =	ssyncset.done @!p3 $0x0  }
0xa3: {  	[sflag:s18] =	ssyncadd.s32 @!p3 $0xFFFF4000;
	p3 =	seq.s32 @!p0 s20, $0x13  }
0xa4: {  	[tilespmem:s28], [sflag:$0x3] =	stream.indirect.gather [spmem:s6], $0x80, s26, s25, $0xb8;
	[tilespmem:$0x19BA8] =	vst v63  }
0xa5: {  	p3 =	por p0, !p3  }
0xa6: {  	s18 =	sadd.s32 @p3 s12, s19  }
0xa7: {  	[tilespmem:s30], [sflag:$0x3] =	stream.indirect.gather [spmem:s6], $0x80, s29, s25, $0xb8;
	[tilespmem:$0x19BA8] =	vst v63  }
0xa8: {  	s18 =	smul.u32 @p3 $0x30, s18  }
0xa9: {  	[tilespmem:s4], [sflag:$0x3] =	stream.indirect.gather [spmem:s6], $0x80, s31, s25, $0xb8;
	[tilespmem:$0x19BA8] =	vst v63  }
0xaa: {  	s21 =	simm.s32 @p3 $0x3A8;
	s18 =	sadd.s32 @p3 s0, s18  }
0xab: {  	[tilespmem:s21], [sflag:$0x1] =	stream.linear.gather @p3 [hbm4b:s18+s7], $0x180, $0x38;
	[tilespmem:$0x19BA8] =	vst v63  }
0xac: {  	_ =	swait.ge [sflag:s1], $0x4000  }
0xad: {  	[sflag:s1] =	ssyncset.done $0x0  }
0xae: {  	[sflag:s1] =	ssyncadd.s32 $0xFFFFC000  }
0xaf: {  	_ =	swait.ge [sflag:s1], $0x4000  }
0xb0: {  	[sflag:s1] =	ssyncset.done $0x0  }
0xb1: {  	s21 =	sor.u32 s8, s19;
	[sflag:s1] =	ssyncadd.s32 $0xFFFFC000  }
0xb2: {  	s18 =	smul.u32 $0x1800, s21;
	_ =	swait.ge [sflag:s1], $0x4000  }
0xb3: {  	[sflag:s1] =	ssyncset.done $0x0  }
0xb4: {  	s22 =	sadd.s32 s5, s18;
	s18 =	simm.s32 $0x0;
	[sflag:s1] =	ssyncadd.s32 $0xFFFFC000  }
0xb5: {  	[hbm4b:s22+s18] =	stream.linear.scatter [tilespmem:s28], [sflag:$0x5], $0xC000, $0x38;
	[tilespmem:$0x19BA8] =	vst v63  }
0xb6: {  	_ =	swait.ge [sflag:s2], $0x180  }
0xb7: {  	[sflag:s2] =	ssyncset.done $0x0  }
0xb8: {  	s21 =	simm.s32 $0x0;
	[sflag:s2] =	ssyncadd.s32 $0xFFFFFE80  }
.LBB2_7:
0xb9: {  	s22 =	sshra.s32 s21, $0x2;
	v3 =	vld.idx.msk [tilespmem:v0+s18+$0x0], $0xffff  }
0xba: {  	v2 =	vld [tilespmem:s22+$0x528];
	_ =	sdelay $0x4  }
0xbb: {  	vm0 =	vlt.f32 v3, v2  }
0xbc: {  	v3 =	vsel vm0, $0x40, v1  }
0xbd: {  	v4 =	vor.u32 $0x1F, v3;
	_ =	sdelay $0x4  }
0xbe: {  	v4 =	vld.idx.msk [tilespmem:v4+s18+$0x0], $0xffff;
	_ =	sdelay $0x4  }
0xbf: {  	v59 =	vor.u32 $0x20, v3;
	vm10 =	vlt.f32 v4, v2  }
0xc0: {  	v3 =	vsel vm10, v59, v3  }
0xc1: {  	v4 =	vor.u32 $0xF, v3;
	_ =	sdelay $0x4  }
0xc2: {  	v4 =	vld.idx.msk [tilespmem:v4+s18+$0x0], $0xffff;
	_ =	sdelay $0x4  }
0xc3: {  	v60 =	vor.u32 $0x10, v3;
	vm11 =	vlt.f32 v4, v2  }
0xc4: {  	v3 =	vsel vm11, v60, v3  }
0xc5: {  	v4 =	vor.u32 $0x7, v3;
	_ =	sdelay $0x4  }
0xc6: {  	v4 =	vld.idx.msk [tilespmem:v4+s18+$0x0], $0xffff;
	_ =	sdelay $0x4  }
0xc7: {  	v61 =	vor.u32 $0x8, v3;
	vm12 =	vlt.f32 v4, v2  }
0xc8: {  	v3 =	vsel vm12, v61, v3  }
0xc9: {  	v4 =	vadd.s32 $0x3, v3;
	_ =	sdelay $0x4  }
0xca: {  	v4 =	vld.idx.msk [tilespmem:v4+s18+$0x0], $0xffff;
	_ =	sdelay $0x4  }
0xcb: {  	v62 =	vadd.s32 $0x4, v3;
	vm13 =	vlt.f32 v4, v2  }
0xcc: {  	v3 =	vsel vm13, v62, v3  }
0xcd: {  	v4 =	vadd.s32 $0x1, v3;
	_ =	sdelay $0x4  }
0xce: {  	v4 =	vld.idx.msk [tilespmem:v4+s18+$0x0], $0xffff;
	_ =	sdelay $0x4  }
0xcf: {  	v63 =	vadd.s32 $0x2, v3;
	vm14 =	vlt.f32 v4, v2  }
0xd0: {  	v3 =	vsel vm14, v63, v3;
	_ =	sdelay $0x4  }
0xd1: {  	v4 =	vld.idx.msk [tilespmem:v3+s18+$0x0], $0xffff;
	_ =	sdelay $0x2  }
0xd2: {  	p3 =	sne.s32 s21, $0x1C0  }
.Ltmp6:
0xd3: {  	_ = 	snop;
	(pc) =	sbr.rel @p3 .LBB2_7-.Ltmp6, $4  }
0xd4: {  	vm15 =	vlt.f32 v4, v2  }
0xd5: {  	v2 =	vsel vm15, $0x1, v1  }
0xd6: {  	v2 =	vadd.s32 v2, v3  }
0xd7: {  	s21 =	sadd.s32 $0x40, s21;
	[tilespmem:s22+$0x8A8] =	vst v2  }
.LBB2_8:
0xd8: {  	s22 =	sshra.s32 s18, $0x2  }
0xd9: {  	s21 =	simm.s32 $0x0;
	v2 =	vld [tilespmem:s22+$0x5A8]  }
0xda: {  	v3 =	vld.idx.msk [tilespmem:v0+s21+$0x0], $0xffff;
	_ =	sdelay $0x4  }
0xdb: {  	vm0 =	vlt.f32 v3, v2  }
0xdc: {  	v3 =	vsel vm0, $0x40, v1  }
0xdd: {  	v4 =	vor.u32 $0x1F, v3;
	_ =	sdelay $0x4  }
0xde: {  	v4 =	vld.idx.msk [tilespmem:v4+s21+$0x0], $0xffff;
	_ =	sdelay $0x4  }
0xdf: {  	v59 =	vor.u32 $0x20, v3;
	vm10 =	vlt.f32 v4, v2  }
0xe0: {  	v3 =	vsel vm10, v59, v3  }
0xe1: {  	v4 =	vor.u32 $0xF, v3;
	_ =	sdelay $0x4  }
0xe2: {  	v4 =	vld.idx.msk [tilespmem:v4+s21+$0x0], $0xffff;
	_ =	sdelay $0x4  }
0xe3: {  	v60 =	vor.u32 $0x10, v3;
	vm11 =	vlt.f32 v4, v2  }
0xe4: {  	v3 =	vsel vm11, v60, v3  }
0xe5: {  	v4 =	vor.u32 $0x7, v3;
	_ =	sdelay $0x4  }
0xe6: {  	v4 =	vld.idx.msk [tilespmem:v4+s21+$0x0], $0xffff;
	_ =	sdelay $0x4  }
0xe7: {  	v61 =	vor.u32 $0x8, v3;
	vm12 =	vlt.f32 v4, v2  }
0xe8: {  	v3 =	vsel vm12, v61, v3  }
0xe9: {  	v4 =	vadd.s32 $0x3, v3;
	_ =	sdelay $0x4  }
0xea: {  	v4 =	vld.idx.msk [tilespmem:v4+s21+$0x0], $0xffff;
	_ =	sdelay $0x4  }
0xeb: {  	v62 =	vadd.s32 $0x4, v3;
	vm13 =	vlt.f32 v4, v2  }
0xec: {  	v3 =	vsel vm13, v62, v3  }
0xed: {  	v4 =	vadd.s32 $0x1, v3;
	_ =	sdelay $0x4  }
0xee: {  	v4 =	vld.idx.msk [tilespmem:v4+s21+$0x0], $0xffff;
	_ =	sdelay $0x4  }
0xef: {  	v63 =	vadd.s32 $0x2, v3;
	vm14 =	vlt.f32 v4, v2  }
0xf0: {  	v3 =	vsel vm14, v63, v3;
	_ =	sdelay $0x4  }
0xf1: {  	v4 =	vld.idx.msk [tilespmem:v3+s21+$0x0], $0xffff;
	_ =	sdelay $0x2  }
0xf2: {  	p3 =	sne.s32 s18, $0x1C0  }
.Ltmp7:
0xf3: {  	_ = 	snop;
	(pc) =	sbr.rel @p3 .LBB2_8-.Ltmp7, $4  }
0xf4: {  	vm15 =	vlt.f32 v4, v2  }
0xf5: {  	v2 =	vsel vm15, $0x1, v1  }
0xf6: {  	v2 =	vadd.s32 v2, v3  }
0xf7: {  	s18 =	sadd.s32 $0x40, s18;
	[tilespmem:s22+$0x928] =	vst v2  }
.LBB2_9:
0xf8: {  	s18 =	sshra.s32 s21, $0x2;
	v3 =	vld.idx.msk [tilespmem:v0+s7+$0x0], $0xffff  }
0xf9: {  	v2 =	vld [tilespmem:s18+$0x628];
	_ =	sdelay $0x4  }
0xfa: {  	vm0 =	vlt.f32 v3, v2  }
0xfb: {  	v3 =	vsel vm0, $0x40, v1  }
0xfc: {  	v4 =	vor.u32 $0x1F, v3;
	_ =	sdelay $0x4  }
0xfd: {  	v4 =	vld.idx.msk [tilespmem:v4+s7+$0x0], $0xffff;
	_ =	sdelay $0x4  }
0xfe: {  	v59 =	vor.u32 $0x20, v3;
	vm10 =	vlt.f32 v4, v2  }
0xff: {  	v3 =	vsel vm10, v59, v3  }
0x100: {  	v4 =	vor.u32 $0xF, v3;
	_ =	sdelay $0x4  }
0x101: {  	v4 =	vld.idx.msk [tilespmem:v4+s7+$0x0], $0xffff;
	_ =	sdelay $0x4  }
0x102: {  	v60 =	vor.u32 $0x10, v3;
	vm11 =	vlt.f32 v4, v2  }
0x103: {  	v3 =	vsel vm11, v60, v3  }
0x104: {  	v4 =	vor.u32 $0x7, v3;
	_ =	sdelay $0x4  }
0x105: {  	v4 =	vld.idx.msk [tilespmem:v4+s7+$0x0], $0xffff;
	_ =	sdelay $0x4  }
0x106: {  	v61 =	vor.u32 $0x8, v3;
	vm12 =	vlt.f32 v4, v2  }
0x107: {  	v3 =	vsel vm12, v61, v3  }
0x108: {  	v4 =	vadd.s32 $0x3, v3;
	_ =	sdelay $0x4  }
0x109: {  	v4 =	vld.idx.msk [tilespmem:v4+s7+$0x0], $0xffff;
	_ =	sdelay $0x4  }
0x10a: {  	v62 =	vadd.s32 $0x4, v3;
	vm13 =	vlt.f32 v4, v2  }
0x10b: {  	v3 =	vsel vm13, v62, v3  }
0x10c: {  	v4 =	vadd.s32 $0x1, v3;
	_ =	sdelay $0x4  }
0x10d: {  	v4 =	vld.idx.msk [tilespmem:v4+s7+$0x0], $0xffff;
	_ =	sdelay $0x4  }
0x10e: {  	v63 =	vadd.s32 $0x2, v3;
	vm14 =	vlt.f32 v4, v2  }
0x10f: {  	v3 =	vsel vm14, v63, v3;
	_ =	sdelay $0x4  }
0x110: {  	v4 =	vld.idx.msk [tilespmem:v3+s7+$0x0], $0xffff;
	_ =	sdelay $0x2  }
0x111: {  	p3 =	sne.s32 s21, $0x1C0  }
.Ltmp8:
0x112: {  	_ = 	snop;
	(pc) =	sbr.rel @p3 .LBB2_9-.Ltmp8, $4  }
0x113: {  	vm15 =	vlt.f32 v4, v2  }
0x114: {  	v2 =	vsel vm15, $0x1, v1  }
0x115: {  	v2 =	vadd.s32 v2, v3  }
0x116: {  	s21 =	sadd.s32 $0x40, s21;
	[tilespmem:s18+$0x9A8] =	vst v2  }
0x117: {  	p3 =	sne.s32 s20, $0x0  }
.Ltmp9:
0x118: {  	_ = 	snop;
	(pc) =	sbr.rel @!p3 .LBB2_11-.Ltmp9, $1  }
0x119: {  	_ =	sdelay $0x3  }
0x11a: {  	_ =	swait.ge [sflag:s14], $0xC000  }
0x11b: {  	[sflag:s14] =	ssyncset.done $0x0  }
0x11c: {  	p3 =	seq.s32 s20, $0x13;
	[sflag:s14] =	ssyncadd.s32 $0xFFFF4000  }
0x11d: {  	[tilespmem:s15], [sflag:$0x4] =	stream.indirect.gather [spmem:s6], $0x80, s3, s25, $0xb8;
	[tilespmem:$0x19BA8] =	vst v63  }
.Ltmp10:
0x11e: {  	_ = 	snop;
	(pc) =	sbr.rel @!p3 .LBB2_13-.Ltmp10, $4  }
0x11f: {  	_ = 	snop  }
0x120: {  	[tilespmem:s17], [sflag:$0x4] =	stream.indirect.gather [spmem:s6], $0x80, s16, s25, $0xb8;
	[tilespmem:$0x19BA8] =	vst v63  }
0x121: {  	_ = 	snop  }
0x122: {  	[tilespmem:s10], [sflag:$0x4] =	stream.indirect.gather [spmem:s6], $0x80, s9, s25, $0xb8;
	[tilespmem:$0x19BA8] =	vst v63  }
0x123: {  	s18 =	simm.s32 $0x4  }
0x124: {  	_ =	swait.ge [sflag:s18], $0x4000  }
0x125: {  	[sflag:s18] =	ssyncset.done $0x0  }
0x126: {  	[sflag:s18] =	ssyncadd.s32 $0xFFFFC000  }
0x127: {  	_ =	swait.ge [sflag:s18], $0x4000  }
0x128: {  	[sflag:s18] =	ssyncset.done $0x0  }
0x129: {  	[sflag:s18] =	ssyncadd.s32 $0xFFFFC000  }
0x12a: {  	_ =	swait.ge [sflag:s18], $0x4000  }
0x12b: {  	[sflag:s18] =	ssyncset.done $0x0  }
0x12c: {  	s22 =	simm.s32 $0x5;
	s21 =	rddreg [dreg:$0x8];
	[sflag:s18] =	ssyncadd.s32 $0xFFFFC000  }
0x12d: {  	[hbm4b:s21+s7] =	stream.linear.scatter [tilespmem:s15], [sflag:$0x6], $0xC000, $0x38;
	[tilespmem:$0x19BA8] =	vst v63  }
0x12e: {  	_ =	swait.ge [sflag:s22], $0xC000  }
.Ltmp11:
0x12f: {  	[sflag:s22] =	ssyncset.done $0x0;
	(pc) =	sbr.rel @p1 .LBB2_20-.Ltmp11, $4  }
0x130: {  	[sflag:s22] =	ssyncadd.s32 $0xFFFF4000  }
0x131: {  	_ =	swait.ge [sflag:s14], $0xC000  }
0x132: {  	[sflag:s14] =	ssyncset.done $0x0  }
0x133: {  	[sflag:s14] =	ssyncadd.s32 $0xFFFF4000  }
0x134: {  	_ =	swait.ge [sflag:s24], $0x180  }
0x135: {  	[sflag:s24] =	ssyncset.done $0x0  }
0x136: {  	s18 =	simm.s32 $0x0;
	s19 =	simm.s32 $0x0;
	[sflag:s24] =	ssyncadd.s32 $0xFFFFFE80  }
.LBB2_16:
0x137: {  	s20 =	sshra.s32 s19, $0x2;
	v3 =	vld.idx.msk [tilespmem:v0+s18+$0x0], $0xffff  }
0x138: {  	v2 =	vld [tilespmem:s20+$0x3A8];
	_ =	sdelay $0x4  }
0x139: {  	vm0 =	vlt.f32 v3, v2  }
0x13a: {  	v3 =	vsel vm0, $0x40, v1  }
0x13b: {  	v4 =	vor.u32 $0x1F, v3;
	_ =	sdelay $0x4  }
0x13c: {  	v4 =	vld.idx.msk [tilespmem:v4+s18+$0x0], $0xffff;
	_ =	sdelay $0x4  }
0x13d: {  	v59 =	vor.u32 $0x20, v3;
	vm10 =	vlt.f32 v4, v2  }
0x13e: {  	v3 =	vsel vm10, v59, v3  }
0x13f: {  	v4 =	vor.u32 $0xF, v3;
	_ =	sdelay $0x4  }
0x140: {  	v4 =	vld.idx.msk [tilespmem:v4+s18+$0x0], $0xffff;
	_ =	sdelay $0x4  }
0x141: {  	v60 =	vor.u32 $0x10, v3;
	vm11 =	vlt.f32 v4, v2  }
0x142: {  	v3 =	vsel vm11, v60, v3  }
0x143: {  	v4 =	vor.u32 $0x7, v3;
	_ =	sdelay $0x4  }
0x144: {  	v4 =	vld.idx.msk [tilespmem:v4+s18+$0x0], $0xffff;
	_ =	sdelay $0x4  }
0x145: {  	v61 =	vor.u32 $0x8, v3;
	vm12 =	vlt.f32 v4, v2  }
0x146: {  	v3 =	vsel vm12, v61, v3  }
0x147: {  	v4 =	vadd.s32 $0x3, v3;
	_ =	sdelay $0x4  }
0x148: {  	v4 =	vld.idx.msk [tilespmem:v4+s18+$0x0], $0xffff;
	_ =	sdelay $0x4  }
0x149: {  	v62 =	vadd.s32 $0x4, v3;
	vm13 =	vlt.f32 v4, v2  }
0x14a: {  	v3 =	vsel vm13, v62, v3  }
0x14b: {  	v4 =	vadd.s32 $0x1, v3;
	_ =	sdelay $0x4  }
0x14c: {  	v4 =	vld.idx.msk [tilespmem:v4+s18+$0x0], $0xffff;
	_ =	sdelay $0x4  }
0x14d: {  	v63 =	vadd.s32 $0x2, v3;
	vm14 =	vlt.f32 v4, v2  }
0x14e: {  	v3 =	vsel vm14, v63, v3;
	_ =	sdelay $0x4  }
0x14f: {  	v4 =	vld.idx.msk [tilespmem:v3+s18+$0x0], $0xffff;
	_ =	sdelay $0x2  }
0x150: {  	p3 =	sne.s32 s19, $0x1C0  }
.Ltmp12:
0x151: {  	_ = 	snop;
	(pc) =	sbr.rel @p3 .LBB2_16-.Ltmp12, $4  }
0x152: {  	vm15 =	vlt.f32 v4, v2  }
0x153: {  	v2 =	vsel vm15, $0x1, v1  }
0x154: {  	v2 =	vadd.s32 v2, v3  }
0x155: {  	s19 =	sadd.s32 $0x40, s19;
	[tilespmem:s20+$0x6A8] =	vst v2  }
.LBB2_17:
0x156: {  	s20 =	sshra.s32 s18, $0x2  }
0x157: {  	s19 =	simm.s32 $0x0;
	v2 =	vld [tilespmem:s20+$0x428]  }
0x158: {  	v3 =	vld.idx.msk [tilespmem:v0+s19+$0x0], $0xffff;
	_ =	sdelay $0x4  }
0x159: {  	vm0 =	vlt.f32 v3, v2  }
0x15a: {  	v3 =	vsel vm0, $0x40, v1  }
0x15b: {  	v4 =	vor.u32 $0x1F, v3;
	_ =	sdelay $0x4  }
0x15c: {  	v4 =	vld.idx.msk [tilespmem:v4+s19+$0x0], $0xffff;
	_ =	sdelay $0x4  }
0x15d: {  	v59 =	vor.u32 $0x20, v3;
	vm10 =	vlt.f32 v4, v2  }
0x15e: {  	v3 =	vsel vm10, v59, v3  }
0x15f: {  	v4 =	vor.u32 $0xF, v3;
	_ =	sdelay $0x4  }
0x160: {  	v4 =	vld.idx.msk [tilespmem:v4+s19+$0x0], $0xffff;
	_ =	sdelay $0x4  }
0x161: {  	v60 =	vor.u32 $0x10, v3;
	vm11 =	vlt.f32 v4, v2  }
0x162: {  	v3 =	vsel vm11, v60, v3  }
0x163: {  	v4 =	vor.u32 $0x7, v3;
	_ =	sdelay $0x4  }
0x164: {  	v4 =	vld.idx.msk [tilespmem:v4+s19+$0x0], $0xffff;
	_ =	sdelay $0x4  }
0x165: {  	v61 =	vor.u32 $0x8, v3;
	vm12 =	vlt.f32 v4, v2  }
0x166: {  	v3 =	vsel vm12, v61, v3  }
0x167: {  	v4 =	vadd.s32 $0x3, v3;
	_ =	sdelay $0x4  }
0x168: {  	v4 =	vld.idx.msk [tilespmem:v4+s19+$0x0], $0xffff;
	_ =	sdelay $0x4  }
0x169: {  	v62 =	vadd.s32 $0x4, v3;
	vm13 =	vlt.f32 v4, v2  }
0x16a: {  	v3 =	vsel vm13, v62, v3  }
0x16b: {  	v4 =	vadd.s32 $0x1, v3;
	_ =	sdelay $0x4  }
0x16c: {  	v4 =	vld.idx.msk [tilespmem:v4+s19+$0x0], $0xffff;
	_ =	sdelay $0x4  }
0x16d: {  	v63 =	vadd.s32 $0x2, v3;
	vm14 =	vlt.f32 v4, v2  }
0x16e: {  	v3 =	vsel vm14, v63, v3;
	_ =	sdelay $0x4  }
0x16f: {  	v4 =	vld.idx.msk [tilespmem:v3+s19+$0x0], $0xffff;
	_ =	sdelay $0x2  }
0x170: {  	p3 =	sne.s32 s18, $0x1C0  }
.Ltmp13:
0x171: {  	_ = 	snop;
	(pc) =	sbr.rel @p3 .LBB2_17-.Ltmp13, $4  }
0x172: {  	vm15 =	vlt.f32 v4, v2  }
0x173: {  	v2 =	vsel vm15, $0x1, v1  }
0x174: {  	v2 =	vadd.s32 v2, v3  }
0x175: {  	s18 =	sadd.s32 $0x40, s18;
	[tilespmem:s20+$0x728] =	vst v2  }
.LBB2_18:
0x176: {  	s18 =	sshra.s32 s19, $0x2;
	v3 =	vld.idx.msk [tilespmem:v0+s7+$0x0], $0xffff  }
0x177: {  	v2 =	vld [tilespmem:s18+$0x4A8];
	_ =	sdelay $0x4  }
0x178: {  	vm0 =	vlt.f32 v3, v2  }
0x179: {  	v3 =	vsel vm0, $0x40, v1  }
0x17a: {  	v4 =	vor.u32 $0x1F, v3;
	_ =	sdelay $0x4  }
0x17b: {  	v4 =	vld.idx.msk [tilespmem:v4+s7+$0x0], $0xffff;
	_ =	sdelay $0x4  }
0x17c: {  	v59 =	vor.u32 $0x20, v3;
	vm10 =	vlt.f32 v4, v2  }
0x17d: {  	v3 =	vsel vm10, v59, v3  }
0x17e: {  	v4 =	vor.u32 $0xF, v3;
	_ =	sdelay $0x4  }
0x17f: {  	v4 =	vld.idx.msk [tilespmem:v4+s7+$0x0], $0xffff;
	_ =	sdelay $0x4  }
0x180: {  	v60 =	vor.u32 $0x10, v3;
	vm11 =	vlt.f32 v4, v2  }
0x181: {  	v3 =	vsel vm11, v60, v3  }
0x182: {  	v4 =	vor.u32 $0x7, v3;
	_ =	sdelay $0x4  }
0x183: {  	v4 =	vld.idx.msk [tilespmem:v4+s7+$0x0], $0xffff;
	_ =	sdelay $0x4  }
0x184: {  	v61 =	vor.u32 $0x8, v3;
	vm12 =	vlt.f32 v4, v2  }
0x185: {  	v3 =	vsel vm12, v61, v3  }
0x186: {  	v4 =	vadd.s32 $0x3, v3;
	_ =	sdelay $0x4  }
0x187: {  	v4 =	vld.idx.msk [tilespmem:v4+s7+$0x0], $0xffff;
	_ =	sdelay $0x4  }
0x188: {  	v62 =	vadd.s32 $0x4, v3;
	vm13 =	vlt.f32 v4, v2  }
0x189: {  	v3 =	vsel vm13, v62, v3  }
0x18a: {  	v4 =	vadd.s32 $0x1, v3;
	_ =	sdelay $0x4  }
0x18b: {  	v4 =	vld.idx.msk [tilespmem:v4+s7+$0x0], $0xffff;
	_ =	sdelay $0x4  }
0x18c: {  	v63 =	vadd.s32 $0x2, v3;
	vm14 =	vlt.f32 v4, v2  }
0x18d: {  	v3 =	vsel vm14, v63, v3;
	_ =	sdelay $0x4  }
0x18e: {  	v4 =	vld.idx.msk [tilespmem:v3+s7+$0x0], $0xffff;
	_ =	sdelay $0x2  }
0x18f: {  	p3 =	sne.s32 s19, $0x1C0  }
.Ltmp14:
0x190: {  	_ = 	snop;
	(pc) =	sbr.rel @p3 .LBB2_18-.Ltmp14, $4  }
0x191: {  	vm15 =	vlt.f32 v4, v2  }
0x192: {  	v2 =	vsel vm15, $0x1, v1  }
0x193: {  	v2 =	vadd.s32 v2, v3  }
0x194: {  	s19 =	sadd.s32 $0x40, s19;
	[tilespmem:s18+$0x7A8] =	vst v2  }
0x195: {  	[tilespmem:s28], [sflag:$0x3] =	stream.indirect.gather [spmem:s6], $0x80, s26, s25, $0xb8;
	[tilespmem:$0x19BA8] =	vst v63  }
0x196: {  	_ = 	snop  }
0x197: {  	[tilespmem:s30], [sflag:$0x3] =	stream.indirect.gather [spmem:s6], $0x80, s29, s25, $0xb8;
	[tilespmem:$0x19BA8] =	vst v63  }
0x198: {  	_ = 	snop  }
0x199: {  	[tilespmem:s4], [sflag:$0x3] =	stream.indirect.gather [spmem:s6], $0x80, s31, s25, $0xb8;
	[tilespmem:$0x19BA8] =	vst v63  }
0x19a: {  	_ =	swait.ge [sflag:s1], $0x4000  }
0x19b: {  	[sflag:s1] =	ssyncset.done $0x0  }
0x19c: {  	[sflag:s1] =	ssyncadd.s32 $0xFFFFC000  }
0x19d: {  	_ =	swait.ge [sflag:s1], $0x4000  }
0x19e: {  	[sflag:s1] =	ssyncset.done $0x0  }
0x19f: {  	[sflag:s1] =	ssyncadd.s32 $0xFFFFC000  }
0x1a0: {  	_ =	swait.ge [sflag:s1], $0x4000  }
0x1a1: {  	[sflag:s1] =	ssyncset.done $0x0  }
0x1a2: {  	s22 =	simm.s32 $0x5;
	s18 =	rddreg [dreg:$0x9];
	[sflag:s1] =	ssyncadd.s32 $0xFFFFC000  }
0x1a3: {  	[hbm4b:s18+s7] =	stream.linear.scatter [tilespmem:s28], [sflag:$0x5], $0xC000, $0x38;
	[tilespmem:$0x19BA8] =	vst v63  }
0x1a4: {  	_ =	swait.ge [sflag:s22], $0xC000  }
0x1a5: {  	[sflag:s22] =	ssyncset.done $0x0  }
0x1a6: {  	[sflag:s22] =	ssyncadd.s32 $0xFFFF4000  }
.LBB2_20:
.Ltmp15:
0x1a7: {  	(pc) =	sbr.rel @p2 .LBB2_22-.Ltmp15, $2  }
0x1a8: {  	_ =	sdelay $0x2  }
0x1a9: {  	s22 =	rddreg [dreg:$0xf]  }
0x1aa: {  	s18 =	rddreg [dreg:$0xa];
	s19 =	simm.s32 $0x18AA8  }
0x1ab: {  	[tilespmem:s19], [sflag:$0x8] =	stream.linear.gather [hbm4b:s18+s7], $0x20, $0x38;
	[tilespmem:$0x19BA8] =	vst v63  }
0x1ac: {  	s19 =	simm.s32 $0x8  }
0x1ad: {  	_ =	swait.ge [sflag:s19], $0x20  }
0x1ae: {  	[sflag:s19] =	ssyncset.done $0x0  }
0x1af: {  	[sflag:s19] =	ssyncadd.s32 $0xFFFFFFE0  }
0x1b0: {  	v2 =	vld [tilespmem:$0x18AA8]  }
0x1b1: {  	v3 =	vld.idx.msk [tilespmem:v0+s7+$0x0], $0xffff;
	_ =	sdelay $0x4  }
0x1b2: {  	vm0 =	vlt.f32 v3, v2  }
0x1b3: {  	v3 =	vsel vm0, $0x40, v1  }
0x1b4: {  	v4 =	vor.u32 $0x1F, v3;
	_ =	sdelay $0x4  }
0x1b5: {  	v4 =	vld.idx.msk [tilespmem:v4+s7+$0x0], $0xffff;
	_ =	sdelay $0x4  }
0x1b6: {  	v53 =	vor.u32 $0x20, v3;
	vm15 =	vlt.f32 v4, v2  }
0x1b7: {  	v3 =	vsel vm15, v53, v3  }
0x1b8: {  	v4 =	vor.u32 $0xF, v3;
	_ =	sdelay $0x4  }
0x1b9: {  	v4 =	vld.idx.msk [tilespmem:v4+s7+$0x0], $0xffff;
	_ =	sdelay $0x4  }
0x1ba: {  	v54 =	vor.u32 $0x10, v3;
	vm4 =	vlt.f32 v4, v2  }
0x1bb: {  	v3 =	vsel vm4, v54, v3  }
0x1bc: {  	v4 =	vor.u32 $0x7, v3;
	_ =	sdelay $0x4  }
0x1bd: {  	v4 =	vld.idx.msk [tilespmem:v4+s7+$0x0], $0xffff;
	_ =	sdelay $0x4  }
0x1be: {  	v55 =	vor.u32 $0x8, v3;
	vm5 =	vlt.f32 v4, v2  }
0x1bf: {  	v3 =	vsel vm5, v55, v3  }
0x1c0: {  	v4 =	vadd.s32 $0x3, v3;
	_ =	sdelay $0x4  }
0x1c1: {  	v4 =	vld.idx.msk [tilespmem:v4+s7+$0x0], $0xffff;
	_ =	sdelay $0x4  }
0x1c2: {  	v56 =	vadd.s32 $0x4, v3;
	vm6 =	vlt.f32 v4, v2  }
0x1c3: {  	v3 =	vsel vm6, v56, v3  }
0x1c4: {  	v4 =	vadd.s32 $0x1, v3;
	_ =	sdelay $0x4  }
0x1c5: {  	v4 =	vld.idx.msk [tilespmem:v4+s7+$0x0], $0xffff;
	_ =	sdelay $0x4  }
0x1c6: {  	v57 =	vadd.s32 $0x2, v3;
	vm7 =	vlt.f32 v4, v2  }
0x1c7: {  	v3 =	vsel vm7, v57, v3;
	_ =	sdelay $0x4  }
0x1c8: {  	v4 =	vld.idx.msk [tilespmem:v3+s7+$0x0], $0xffff;
	_ =	sdelay $0x4  }
0x1c9: {  	vm8 =	vlt.f32 v4, v2  }
0x1ca: {  	v2 =	vsel vm8, $0x1, v1  }
0x1cb: {  	v2 =	vadd.s32 v2, v3  }
0x1cc: {  	[tilespmem:$0x18B28] =	vst v2;
	v2 =	vld [tilespmem:$0x18AB8]  }
0x1cd: {  	v3 =	vld.idx.msk [tilespmem:v0+s7+$0x0], $0xffff;
	_ =	sdelay $0x4  }
0x1ce: {  	vm9 =	vlt.f32 v3, v2  }
0x1cf: {  	v3 =	vsel vm9, $0x40, v1  }
0x1d0: {  	v58 =	vor.u32 $0x1F, v3;
	_ =	sdelay $0x4  }
0x1d1: {  	v4 =	vld.idx.msk [tilespmem:v58+s7+$0x0], $0xffff;
	_ =	sdelay $0x4  }
0x1d2: {  	v59 =	vor.u32 $0x20, v3;
	vm10 =	vlt.f32 v4, v2  }
0x1d3: {  	v3 =	vsel vm10, v59, v3  }
0x1d4: {  	v4 =	vor.u32 $0xF, v3;
	_ =	sdelay $0x4  }
0x1d5: {  	v4 =	vld.idx.msk [tilespmem:v4+s7+$0x0], $0xffff;
	_ =	sdelay $0x4  }
0x1d6: {  	v60 =	vor.u32 $0x10, v3;
	vm11 =	vlt.f32 v4, v2  }
0x1d7: {  	v3 =	vsel vm11, v60, v3  }
0x1d8: {  	v4 =	vor.u32 $0x7, v3;
	_ =	sdelay $0x4  }
0x1d9: {  	v4 =	vld.idx.msk [tilespmem:v4+s7+$0x0], $0xffff;
	_ =	sdelay $0x4  }
0x1da: {  	v61 =	vor.u32 $0x8, v3;
	vm12 =	vlt.f32 v4, v2  }
0x1db: {  	v3 =	vsel vm12, v61, v3  }
0x1dc: {  	v4 =	vadd.s32 $0x3, v3;
	_ =	sdelay $0x4  }
0x1dd: {  	v4 =	vld.idx.msk [tilespmem:v4+s7+$0x0], $0xffff;
	_ =	sdelay $0x4  }
0x1de: {  	v62 =	vadd.s32 $0x4, v3;
	vm13 =	vlt.f32 v4, v2  }
0x1df: {  	v3 =	vsel vm13, v62, v3  }
0x1e0: {  	v4 =	vadd.s32 $0x1, v3;
	_ =	sdelay $0x4  }
0x1e1: {  	v4 =	vld.idx.msk [tilespmem:v4+s7+$0x0], $0xffff;
	_ =	sdelay $0x4  }
0x1e2: {  	v63 =	vadd.s32 $0x2, v3;
	vm14 =	vlt.f32 v4, v2  }
0x1e3: {  	v3 =	vsel vm14, v63, v3;
	_ =	sdelay $0x4  }
0x1e4: {  	v4 =	vld.idx.msk [tilespmem:v3+s7+$0x0], $0xffff;
	_ =	sdelay $0x4  }
0x1e5: {  	vm15 =	vlt.f32 v4, v2  }
0x1e6: {  	v2 =	vsel vm15, $0x1, v1  }
0x1e7: {  	v2 =	vadd.s32 v2, v3  }
0x1e8: {  	s20 =	simm.s32 $0x18B28;
	s21 =	simm.s32 $0x18BA8;
	s18 =	simm.s32 $0x20;
	[tilespmem:$0x18B38] =	vst v2  }
0x1e9: {  	[tilespmem:s21], [sflag:$0x7] =	stream.indirect.gather [spmem:s6], $0x80, s20, s18, $0xb8;
	[tilespmem:$0x19BA8] =	vst v63  }
0x1ea: {  	s20 =	simm.s32 $0x7  }
0x1eb: {  	_ =	swait.ge [sflag:s20], $0x1000  }
0x1ec: {  	[sflag:s20] =	ssyncset.done $0x0  }
.Ltmp16:
0x1ed: {  	[sflag:s20] =	ssyncadd.s32 $0xFFFFF000;
	s20 =	rddreg [dreg:$0xb];
	(pc) =	sbr.rel .LBB2_22-.Ltmp16, $4  }
0x1ee: {  	[hbm4b:s20+s7] =	stream.linear.scatter [tilespmem:s21], [sflag:$0x8], $0x1000, $0x38;
	[tilespmem:$0x19BA8] =	vst v63  }
0x1ef: {  	_ =	swait.ge [sflag:s19], $0x1000  }
0x1f0: {  	[sflag:s19] =	ssyncset.done $0x0  }
0x1f1: {  	[sflag:s19] =	ssyncadd.s32 $0xFFFFF000  }
.LBB2_23:
0x1f2: {  	_ =	sfence.sel $0x180000  }
0x1f3: {  	[bflag:$0x0] =	sbarrier.arrive $0xFFFF  }
0x1f4: {  	_ =	strace $0x90000047  }
0x1f5: {  	s0 =	stileid.u32;
	[bflag:$0x2] =	sbarrier.arrive $0xFFFF  }
0x1f6: {  	p0 =	sne.s32 s0, $0x0;
	s0 =	rddreg [dreg:$0x5]  }
0x1f7: {  	s0 =	sadd.s32 @!p0 $0x100000, s0  }
0x1f8: {  	[sflag:s0] =	ssyncadd.tile.s32 @!p0 $0x1;
	_ =	shalt  }
.Lfunc_end2:
_tile_overlayer_lowered:
.L_overlay_start_2:
0x1f9: {  	(tag) =	ssettag $0x2  }
0x1fa: {  	s0 =	rddreg [dreg:$0x0];
	s2 =	stileid.u32  }
0x1fb: {  	s1 =	rddreg [dreg:$0x1];
	p0 =	sne.s32 s2, $0x0  }
0x1fc: {  	s3 =	rddreg [dreg:$0x2];
	[bflag:$0x3] =	sbarrier.arrive $0xFFFF;
	s2 =	simm.s32 @!p0 $0x1C08  }
0x1fd: {  	[timem:s3], [sflag:s2] =	dma.local @!p0 [hbm:s0], s1  }
0x1fe: {  	s0 =	simm.s32 @!p0 $0x8  }
0x1ff: {  	_ =	swait.ge @!p0 [sflag:s0], s1  }
0x200: {  	s1 =	ssub.s32 @!p0 $0x0, s1;
	[sflag:s0] =	ssyncset.done @!p0 $0x0  }
0x201: {  	[sflag:s0] =	ssyncadd.s32 @!p0 s1  }
0x202: {  	[bflag:$0x3] =	sbarrier.arrive $0xFFFF  }
0x203: {  	_ =	shalt  }

</sc_bundles>
